<compile_context>
chip_gen: v7x
topology: tpu7x:2x2x1
jax: 0.10.2.dev20260603
libtpu: 0.0.44.dev20260713+nightly
codegen_flags: <defaults>
</compile_context>

<pallas_src>
import jax
import jax.numpy as jnp
from jax import lax
from jax.experimental import pallas as pl
from jax.experimental.pallas import tpu as pltpu
from jax.experimental.pallas import tpu_sc as plsc

_NC = 2
_NS = 16
_NW = _NC * _NS
_B, _S, _D = 1024, 200, 128
_N = _B * _S
_PER_W = _N // _NW
_C = _S
_NCH = _PER_W // _C
_DV = _D // 16
_R = 4


def _body(seq_hbm, table_hbm, type_hbm, pos_hbm, out_hbm,
          idx_all, bufs, type_v, bias_sh,
          gs0, gs1, gs2, gs3, ss0, ss1, ss2, ss3):
    gsems = (gs0, gs1, gs2, gs3)
    ssems = (ss0, ss1, ss2, ss3)
    sid = lax.axis_index("s")
    wid = sid * _NC + lax.axis_index("c")
    base = wid * _PER_W

    pltpu.sync_copy(seq_hbm.at[pl.ds(wid * _NCH, _NCH)], idx_all)

    @pl.when(sid == 0)
    def _mk_bias():
        pltpu.sync_copy(pos_hbm.at[pl.ds(0, _S)], bufs.at[0])
        pltpu.sync_copy(type_hbm, type_v)

        @pl.loop(0, _S)
        def _add_type(r):
            for t in range(_DV):
                sl = pl.ds(t * 16, 16)
                bufs[0, r, sl] = bufs[0, r, sl] + type_v[0, sl]

        pltpu.sync_copy(bufs.at[0], bias_sh)

    plsc.subcore_barrier()

    def prefill(b):
        pltpu.sync_copy(bias_sh, bufs.at[b])

    def start_gather(c, b):
        pltpu.async_copy(table_hbm.at[idx_all.at[c, pl.ds(0, 128)]],
                         bufs.at[b, pl.ds(0, 128)], gsems[b], add=True)
        pltpu.async_copy(table_hbm.at[idx_all.at[c, pl.ds(128, 72)]],
                         bufs.at[b, pl.ds(128, 72)], gsems[b], add=True)

    def wait_gather(b):
        pltpu.make_async_copy(table_hbm.at[idx_all.at[0, pl.ds(0, 128)]],
                              bufs.at[b, pl.ds(0, 128)], gsems[b]).wait()
        pltpu.make_async_copy(table_hbm.at[idx_all.at[0, pl.ds(128, 72)]],
                              bufs.at[b, pl.ds(128, 72)], gsems[b]).wait()

    def start_store(c, b):
        pltpu.async_copy(bufs.at[b], out_hbm.at[pl.ds(base + c * _C, _C)],
                         ssems[b])

    def wait_store(b):
        pltpu.make_async_copy(bufs.at[b], out_hbm.at[pl.ds(0, _C)],
                              ssems[b]).wait()

    for b in range(2):
        prefill(b)
        start_gather(b, b)

    @pl.loop(0, _NCH // _R)
    def _outer(i):
        for b in range(_R):
            k = i * _R + b
            wait_gather(b)
            start_store(k, b)
            c = k + 2
            b2 = (b + 2) % _R

            @pl.when(c < _NCH)
            def _prep():
                @pl.when(c >= _R)
                def _w():
                    wait_store(b2)
                prefill(b2)
                start_gather(c, b2)

    for b in range(_R):
        wait_store(b)


@jax.jit
def kernel(sequence, token_table, type_table, pos_table):
    seq2 = sequence.reshape(_N // _C, _C)
    mesh = plsc.VectorSubcoreMesh(core_axis_name="c", subcore_axis_name="s")
    out = pl.kernel(
        _body,
        out_type=jax.ShapeDtypeStruct((_N, _D), jnp.float32),
        mesh=mesh,
        scratch_types=[
            pltpu.VMEM((_NCH, _C), jnp.int32),
            pltpu.VMEM((_R, _C, _D), jnp.float32),
            pltpu.VMEM((1, _D), jnp.float32),
            pltpu.VMEM_SHARED((_C, _D), jnp.float32),
        ] + [pltpu.SemaphoreType.DMA] * 8,
    )(seq2, token_table, type_table, pos_table)
    return out.reshape(_B, _S, _D)

# --- scband reference (transcript-rebuilt; emitter-appended) ---
"""Pipeline reference for scband-wan-clipdecoder-embedding-3762391352040 (READ-ONLY COPY).

The authoritative reference and input builder live on the scoring server;
editing this copy changes nothing except your own understanding.
"""

import jax, jax.numpy as jnp
import numpy as np

VOCAB = 100000
EMBED = 128
MAX_SEQ = 512
TYPE_SIZE = 1
B, S = 1024, 200


def setup_inputs(seed: int = 0) -> dict:
    key = jax.random.key(seed)
    k1, k2, k3, k4 = jax.random.split(key, 4)
    sequence = jax.random.randint(k1, (B, S), 0, VOCAB, dtype=jnp.int32)
    token_table = jax.random.normal(k2, (VOCAB, EMBED), dtype=jnp.float32) * 0.02
    type_table = jax.random.normal(k3, (TYPE_SIZE, EMBED), dtype=jnp.float32) * 0.02
    pos_table = jax.random.normal(k4, (MAX_SEQ, EMBED), dtype=jnp.float32) * 0.02
    return {"sequence": sequence, "token_table": token_table, "type_table": type_table, "pos_table": pos_table}


def reference(sequence, token_table, type_table, pos_table):
    # (b, s) -> (b, s, h)
    s = sequence.shape[1]
    tok = jnp.take(token_table, sequence, axis=0)              # (b, s, h)
    typ = jnp.take(type_table, jnp.zeros_like(sequence), axis=0)  # (b, s, h)
    pos = jnp.take(pos_table, jnp.arange(s), axis=0)[None, :, :]  # (1, s, h)
    return tok + typ + pos

if __name__ == "__main__":
    import jax
    _d = setup_inputs()
    print(jax.jit(kernel)(*tuple(_d.values())))

</pallas_src>

<mosaic_0001>
#map = affine_map<(d0, d1) -> (0, 0)>
module attributes {stable_mosaic.version = 14 : i64} {
  func.func @_body(%arg0: i32, %arg1: i32, %arg2: memref<1024x200xi32, #tpu.memory_space<hbm>>, %arg3: memref<100000x128xf32, #tpu.memory_space<hbm>>, %arg4: memref<1x128xf32, #tpu.memory_space<hbm>>, %arg5: memref<512x128xf32, #tpu.memory_space<hbm>>, %arg6: memref<204800x128xf32, #tpu.memory_space<hbm>>, %arg7: memref<32x200xi32, #tpu.memory_space<vmem>>, %arg8: memref<4x200x128xf32, #tpu.memory_space<vmem>>, %arg9: memref<1x128xf32, #tpu.memory_space<vmem>>, %arg10: memref<200x128xf32, #tpu.memory_space<vmem_shared>>, %arg11: memref<!tpu.dma_semaphore, #tpu.memory_space<semaphore_mem>>, %arg12: memref<!tpu.dma_semaphore, #tpu.memory_space<semaphore_mem>>, %arg13: memref<!tpu.dma_semaphore, #tpu.memory_space<semaphore_mem>>, %arg14: memref<!tpu.dma_semaphore, #tpu.memory_space<semaphore_mem>>, %arg15: memref<!tpu.dma_semaphore, #tpu.memory_space<semaphore_mem>>, %arg16: memref<!tpu.dma_semaphore, #tpu.memory_space<semaphore_mem>>, %arg17: memref<!tpu.dma_semaphore, #tpu.memory_space<semaphore_mem>>, %arg18: memref<!tpu.dma_semaphore, #tpu.memory_space<semaphore_mem>>) attributes {dimension_semantics = [#tpu.dimension_semantics<core_parallel>, #tpu.dimension_semantics<subcore_parallel>], iteration_bounds = array<i64: 2, 16>, scalar_prefetch = 0 : i64, scratch_operands = 12 : i64, tpu.core_type = #tpu.core_type<sc_vector_subcore>, window_params = [{transform_indices = #map}, {transform_indices = #map}, {transform_indices = #map}, {transform_indices = #map}, {transform_indices = #map}]} {
    %mul3A = arith.constant 2 : i32
    %mul3A_0 = arith.muli %arg1, %mul3A : i32
    %add3A = arith.addi %mul3A_0, %arg0 : i32
    %mul3A_1 = arith.constant 6400 : i32
    %mul3A_2 = arith.muli %add3A, %mul3A_1 : i32
    %mul3A_3 = arith.constant 32 : i32
    %mul3A_4 = arith.muli %add3A, %mul3A_3 : i32
    "tpu.region"() ({
      %run_scoped3A_118 = tpu.sem_alloc : memref<!tpu.dma_semaphore, #tpu.memory_space<semaphore_mem>>
      %dma_start3A_119 = arith.constant 0 : i32
      %dma_start3A_120 = tpu.memref_slice %arg2[%mul3A_4, %dma_start3A_119] : memref<1024x200xi32, #tpu.memory_space<hbm>> -> memref<32x200xi32, #tpu.memory_space<hbm>>
      %dma_start3A_121 = arith.constant 0 : i32
      %dma_start3A_122 = tpu.memref_slice %arg2[%mul3A_4, %dma_start3A_121] : memref<1024x200xi32, #tpu.memory_space<hbm>> -> memref<32x200xi32, #tpu.memory_space<hbm>>
      tpu.enqueue_dma source(%dma_start3A_122 : memref<32x200xi32, #tpu.memory_space<hbm>>) target(%arg7 : memref<32x200xi32, #tpu.memory_space<vmem>>) target_semaphore(%run_scoped3A_118 : memref<!tpu.dma_semaphore, #tpu.memory_space<semaphore_mem>>)
      %dma_wait3A_123 = arith.constant 0 : i32
      %dma_wait3A_124 = tpu.memref_slice %arg2[%mul3A_4, %dma_wait3A_123] : memref<1024x200xi32, #tpu.memory_space<hbm>> -> memref<32x200xi32, #tpu.memory_space<hbm>>
      %dma_wait3A_125 = arith.constant 0 : i32
      %dma_wait3A_126 = tpu.memref_slice %arg2[%mul3A_4, %dma_wait3A_125] : memref<1024x200xi32, #tpu.memory_space<hbm>> -> memref<32x200xi32, #tpu.memory_space<hbm>>
      tpu.wait_dma2 semaphore(%run_scoped3A_118 : memref<!tpu.dma_semaphore, #tpu.memory_space<semaphore_mem>>) src(%dma_wait3A_126 : memref<32x200xi32, #tpu.memory_space<hbm>>) dst(%arg7 : memref<32x200xi32, #tpu.memory_space<vmem>>)
      tpu.yield
    }) : () -> ()
    %eq3A = arith.constant 0 : i32
    %eq3A_5 = arith.cmpi eq, %arg1, %eq3A : i32
    %convert_element_type3A = arith.extui %eq3A_5 : i1 to i32
    %cond3A = arith.constant 0 : i32
    %cond3A_6 = arith.cmpi ne, %convert_element_type3A, %cond3A : i32
    scf.if %cond3A_6 {
      %run_scoped3A_118 = arith.constant 0 : i32
      "tpu.region"() ({
        %run_scoped3A_125 = tpu.sem_alloc : memref<!tpu.dma_semaphore, #tpu.memory_space<semaphore_mem>>
        %dma_start3A_126 = arith.constant 0 : i32
        %dma_start3A_127 = arith.constant 0 : i32
        %dma_start3A_128 = tpu.memref_slice %arg8[%run_scoped3A_118, %dma_start3A_126, %dma_start3A_127] : memref<4x200x128xf32, #tpu.memory_space<vmem>> -> memref<1x200x128xf32, #tpu.memory_space<vmem>>
        %dma_start3A_129 = tpu.memref_squeeze %dma_start3A_128 : memref<1x200x128xf32, #tpu.memory_space<vmem>> -> memref<200x128xf32, #tpu.memory_space<vmem>>
        %dma_start3A_130 = arith.constant 0 : i32
        %dma_start3A_131 = arith.constant 0 : i32
        %dma_start3A_132 = tpu.memref_slice %arg5[%dma_start3A_130, %dma_start3A_131] : memref<512x128xf32, #tpu.memory_space<hbm>> -> memref<200x128xf32, #tpu.memory_space<hbm>>
        %dma_start3A_133 = arith.constant 0 : i32
        %dma_start3A_134 = arith.constant 0 : i32
        %dma_start3A_135 = tpu.memref_slice %arg8[%run_scoped3A_118, %dma_start3A_133, %dma_start3A_134] : memref<4x200x128xf32, #tpu.memory_space<vmem>> -> memref<1x200x128xf32, #tpu.memory_space<vmem>>
        %dma_start3A_136 = tpu.memref_squeeze %dma_start3A_135 : memref<1x200x128xf32, #tpu.memory_space<vmem>> -> memref<200x128xf32, #tpu.memory_space<vmem>>
        %dma_start3A_137 = arith.constant 0 : i32
        %dma_start3A_138 = arith.constant 0 : i32
        %dma_start3A_139 = tpu.memref_slice %arg5[%dma_start3A_137, %dma_start3A_138] : memref<512x128xf32, #tpu.memory_space<hbm>> -> memref<200x128xf32, #tpu.memory_space<hbm>>
        tpu.enqueue_dma source(%dma_start3A_139 : memref<200x128xf32, #tpu.memory_space<hbm>>) target(%dma_start3A_136 : memref<200x128xf32, #tpu.memory_space<vmem>>) target_semaphore(%run_scoped3A_125 : memref<!tpu.dma_semaphore, #tpu.memory_space<semaphore_mem>>)
        %dma_wait3A_140 = arith.constant 0 : i32
        %dma_wait3A_141 = arith.constant 0 : i32
        %dma_wait3A_142 = tpu.memref_slice %arg8[%run_scoped3A_118, %dma_wait3A_140, %dma_wait3A_141] : memref<4x200x128xf32, #tpu.memory_space<vmem>> -> memref<1x200x128xf32, #tpu.memory_space<vmem>>
        %dma_wait3A_143 = tpu.memref_squeeze %dma_wait3A_142 : memref<1x200x128xf32, #tpu.memory_space<vmem>> -> memref<200x128xf32, #tpu.memory_space<vmem>>
        %dma_wait3A_144 = arith.constant 0 : i32
        %dma_wait3A_145 = arith.constant 0 : i32
        %dma_wait3A_146 = tpu.memref_slice %arg5[%dma_wait3A_144, %dma_wait3A_145] : memref<512x128xf32, #tpu.memory_space<hbm>> -> memref<200x128xf32, #tpu.memory_space<hbm>>
        %dma_wait3A_147 = arith.constant 0 : i32
        %dma_wait3A_148 = arith.constant 0 : i32
        %dma_wait3A_149 = tpu.memref_slice %arg8[%run_scoped3A_118, %dma_wait3A_147, %dma_wait3A_148] : memref<4x200x128xf32, #tpu.memory_space<vmem>> -> memref<1x200x128xf32, #tpu.memory_space<vmem>>
        %dma_wait3A_150 = tpu.memref_squeeze %dma_wait3A_149 : memref<1x200x128xf32, #tpu.memory_space<vmem>> -> memref<200x128xf32, #tpu.memory_space<vmem>>
        %dma_wait3A_151 = arith.constant 0 : i32
        %dma_wait3A_152 = arith.constant 0 : i32
        %dma_wait3A_153 = tpu.memref_slice %arg5[%dma_wait3A_151, %dma_wait3A_152] : memref<512x128xf32, #tpu.memory_space<hbm>> -> memref<200x128xf32, #tpu.memory_space<hbm>>
        tpu.wait_dma2 semaphore(%run_scoped3A_125 : memref<!tpu.dma_semaphore, #tpu.memory_space<semaphore_mem>>) src(%dma_wait3A_153 : memref<200x128xf32, #tpu.memory_space<hbm>>) dst(%dma_wait3A_150 : memref<200x128xf32, #tpu.memory_space<vmem>>)
        tpu.yield
      }) : () -> ()
      "tpu.region"() ({
        %run_scoped3A_125 = tpu.sem_alloc : memref<!tpu.dma_semaphore, #tpu.memory_space<semaphore_mem>>
        tpu.enqueue_dma source(%arg4 : memref<1x128xf32, #tpu.memory_space<hbm>>) target(%arg9 : memref<1x128xf32, #tpu.memory_space<vmem>>) target_semaphore(%run_scoped3A_125 : memref<!tpu.dma_semaphore, #tpu.memory_space<semaphore_mem>>)
        tpu.wait_dma2 semaphore(%run_scoped3A_125 : memref<!tpu.dma_semaphore, #tpu.memory_space<semaphore_mem>>) src(%arg4 : memref<1x128xf32, #tpu.memory_space<hbm>>) dst(%arg9 : memref<1x128xf32, #tpu.memory_space<vmem>>)
        tpu.yield
      }) : () -> ()
      %scan3A_119 = arith.constant 0 : i32
      %scan3A_120 = arith.constant 200 : i32
      %scan3A_121 = arith.addi %scan3A_119, %scan3A_120 : i32
      %scan3A_122 = arith.constant 1 : i32
      scf.for %scan3A_125 = %scan3A_119 to %scan3A_121 step %scan3A_122  : i32 {
        %mul3A_126 = arith.constant 1 : i32
        %mul3A_127 = arith.muli %scan3A_125, %mul3A_126 : i32
        %add3A_128 = arith.constant 0 : i32
        %add3A_129 = arith.addi %add3A_128, %mul3A_127 : i32
        %get3A = arith.constant 0 : i32
        %get3A_130 = arith.index_cast %get3A : i32 to index
        %get3A_131 = arith.index_cast %add3A_129 : i32 to index
        %get3A_132 = arith.constant 0 : index
        %get3A_133 = tpu.vector_load %arg8[%get3A_130, %get3A_131, %get3A_132] {strides = array<i32>} : memref<4x200x128xf32, #tpu.memory_space<vmem>>, vector<1x1x16xf32>,
        %get3A_134 = vector.shape_cast %get3A_133 : vector<1x1x16xf32> to vector<16xf32>
        %get3A_135 = arith.constant 0 : i32
        %get3A_136 = arith.index_cast %get3A_135 : i32 to index
        %get3A_137 = arith.constant 0 : index
        %get3A_138 = tpu.vector_load %arg9[%get3A_136, %get3A_137] {strides = array<i32>} : memref<1x128xf32, #tpu.memory_space<vmem>>, vector<1x16xf32>,
        %get3A_139 = vector.shape_cast %get3A_138 : vector<1x16xf32> to vector<16xf32>
        %add3A_140 = arith.addf %get3A_134, %get3A_139 : vector<16xf32>
        %swap3A = arith.constant 0 : i32
        %swap3A_141 = arith.index_cast %swap3A : i32 to index
        %swap3A_142 = arith.index_cast %add3A_129 : i32 to index
        %swap3A_143 = arith.constant 0 : index
        %swap3A_144 = tpu.vector_load %arg8[%swap3A_141, %swap3A_142, %swap3A_143] {strides = array<i32>} : memref<4x200x128xf32, #tpu.memory_space<vmem>>, vector<1x1x16xf32>,
        %swap3A_145 = vector.shape_cast %swap3A_144 : vector<1x1x16xf32> to vector<16xf32>
        %swap3A_146 = vector.shape_cast %add3A_140 : vector<16xf32> to vector<1x1x16xf32>
        tpu.vector_store %arg8[%swap3A_141, %swap3A_142, %swap3A_143], %swap3A_146 {strides = array<i32>} : memref<4x200x128xf32, #tpu.memory_space<vmem>>, vector<1x1x16xf32>,
        %get3A_147 = arith.constant 0 : i32
        %get3A_148 = arith.index_cast %get3A_147 : i32 to index
        %get3A_149 = arith.index_cast %add3A_129 : i32 to index
        %get3A_150 = arith.constant 16 : index
        %get3A_151 = tpu.vector_load %arg8[%get3A_148, %get3A_149, %get3A_150] {strides = array<i32>} : memref<4x200x128xf32, #tpu.memory_space<vmem>>, vector<1x1x16xf32>,
        %get3A_152 = vector.shape_cast %get3A_151 : vector<1x1x16xf32> to vector<16xf32>
        %get3A_153 = arith.constant 0 : i32
        %get3A_154 = arith.index_cast %get3A_153 : i32 to index
        %get3A_155 = arith.constant 16 : index
        %get3A_156 = tpu.vector_load %arg9[%get3A_154, %get3A_155] {strides = array<i32>} : memref<1x128xf32, #tpu.memory_space<vmem>>, vector<1x16xf32>,
        %get3A_157 = vector.shape_cast %get3A_156 : vector<1x16xf32> to vector<16xf32>
        %add3A_158 = arith.addf %get3A_152, %get3A_157 : vector<16xf32>
        %swap3A_159 = arith.constant 0 : i32
        %swap3A_160 = arith.index_cast %swap3A_159 : i32 to index
        %swap3A_161 = arith.index_cast %add3A_129 : i32 to index
        %swap3A_162 = arith.constant 16 : index
        %swap3A_163 = tpu.vector_load %arg8[%swap3A_160, %swap3A_161, %swap3A_162] {strides = array<i32>} : memref<4x200x128xf32, #tpu.memory_space<vmem>>, vector<1x1x16xf32>,
        %swap3A_164 = vector.shape_cast %swap3A_163 : vector<1x1x16xf32> to vector<16xf32>
        %swap3A_165 = vector.shape_cast %add3A_158 : vector<16xf32> to vector<1x1x16xf32>
        tpu.vector_store %arg8[%swap3A_160, %swap3A_161, %swap3A_162], %swap3A_165 {strides = array<i32>} : memref<4x200x128xf32, #tpu.memory_space<vmem>>, vector<1x1x16xf32>,
        %get3A_166 = arith.constant 0 : i32
        %get3A_167 = arith.index_cast %get3A_166 : i32 to index
        %get3A_168 = arith.index_cast %add3A_129 : i32 to index
        %get3A_169 = arith.constant 32 : index
        %get3A_170 = tpu.vector_load %arg8[%get3A_167, %get3A_168, %get3A_169] {strides = array<i32>} : memref<4x200x128xf32, #tpu.memory_space<vmem>>, vector<1x1x16xf32>,
        %get3A_171 = vector.shape_cast %get3A_170 : vector<1x1x16xf32> to vector<16xf32>
        %get3A_172 = arith.constant 0 : i32
        %get3A_173 = arith.index_cast %get3A_172 : i32 to index
        %get3A_174 = arith.constant 32 : index
        %get3A_175 = tpu.vector_load %arg9[%get3A_173, %get3A_174] {strides = array<i32>} : memref<1x128xf32, #tpu.memory_space<vmem>>, vector<1x16xf32>,
        %get3A_176 = vector.shape_cast %get3A_175 : vector<1x16xf32> to vector<16xf32>
        %add3A_177 = arith.addf %get3A_171, %get3A_176 : vector<16xf32>
        %swap3A_178 = arith.constant 0 : i32
        %swap3A_179 = arith.index_cast %swap3A_178 : i32 to index
        %swap3A_180 = arith.index_cast %add3A_129 : i32 to index
        %swap3A_181 = arith.constant 32 : index
        %swap3A_182 = tpu.vector_load %arg8[%swap3A_179, %swap3A_180, %swap3A_181] {strides = array<i32>} : memref<4x200x128xf32, #tpu.memory_space<vmem>>, vector<1x1x16xf32>,
        %swap3A_183 = vector.shape_cast %swap3A_182 : vector<1x1x16xf32> to vector<16xf32>
        %swap3A_184 = vector.shape_cast %add3A_177 : vector<16xf32> to vector<1x1x16xf32>
        tpu.vector_store %arg8[%swap3A_179, %swap3A_180, %swap3A_181], %swap3A_184 {strides = array<i32>} : memref<4x200x128xf32, #tpu.memory_space<vmem>>, vector<1x1x16xf32>,
        %get3A_185 = arith.constant 0 : i32
        %get3A_186 = arith.index_cast %get3A_185 : i32 to index
        %get3A_187 = arith.index_cast %add3A_129 : i32 to index
        %get3A_188 = arith.constant 48 : index
        %get3A_189 = tpu.vector_load %arg8[%get3A_186, %get3A_187, %get3A_188] {strides = array<i32>} : memref<4x200x128xf32, #tpu.memory_space<vmem>>, vector<1x1x16xf32>,
        %get3A_190 = vector.shape_cast %get3A_189 : vector<1x1x16xf32> to vector<16xf32>
        %get3A_191 = arith.constant 0 : i32
        %get3A_192 = arith.index_cast %get3A_191 : i32 to index
        %get3A_193 = arith.constant 48 : index
        %get3A_194 = tpu.vector_load %arg9[%get3A_192, %get3A_193] {strides = array<i32>} : memref<1x128xf32, #tpu.memory_space<vmem>>, vector<1x16xf32>,
        %get3A_195 = vector.shape_cast %get3A_194 : vector<1x16xf32> to vector<16xf32>
        %add3A_196 = arith.addf %get3A_190, %get3A_195 : vector<16xf32>
        %swap3A_197 = arith.constant 0 : i32
        %swap3A_198 = arith.index_cast %swap3A_197 : i32 to index
        %swap3A_199 = arith.index_cast %add3A_129 : i32 to index
        %swap3A_200 = arith.constant 48 : index
        %swap3A_201 = tpu.vector_load %arg8[%swap3A_198, %swap3A_199, %swap3A_200] {strides = array<i32>} : memref<4x200x128xf32, #tpu.memory_space<vmem>>, vector<1x1x16xf32>,
        %swap3A_202 = vector.shape_cast %swap3A_201 : vector<1x1x16xf32> to vector<16xf32>
        %swap3A_203 = vector.shape_cast %add3A_196 : vector<16xf32> to vector<1x1x16xf32>
        tpu.vector_store %arg8[%swap3A_198, %swap3A_199, %swap3A_200], %swap3A_203 {strides = array<i32>} : memref<4x200x128xf32, #tpu.memory_space<vmem>>, vector<1x1x16xf32>,
        %get3A_204 = arith.constant 0 : i32
        %get3A_205 = arith.index_cast %get3A_204 : i32 to index
        %get3A_206 = arith.index_cast %add3A_129 : i32 to index
        %get3A_207 = arith.constant 64 : index
        %get3A_208 = tpu.vector_load %arg8[%get3A_205, %get3A_206, %get3A_207] {strides = array<i32>} : memref<4x200x128xf32, #tpu.memory_space<vmem>>, vector<1x1x16xf32>,
        %get3A_209 = vector.shape_cast %get3A_208 : vector<1x1x16xf32> to vector<16xf32>
        %get3A_210 = arith.constant 0 : i32
        %get3A_211 = arith.index_cast %get3A_210 : i32 to index
        %get3A_212 = arith.constant 64 : index
        %get3A_213 = tpu.vector_load %arg9[%get3A_211, %get3A_212] {strides = array<i32>} : memref<1x128xf32, #tpu.memory_space<vmem>>, vector<1x16xf32>,
        %get3A_214 = vector.shape_cast %get3A_213 : vector<1x16xf32> to vector<16xf32>
        %add3A_215 = arith.addf %get3A_209, %get3A_214 : vector<16xf32>
        %swap3A_216 = arith.constant 0 : i32
        %swap3A_217 = arith.index_cast %swap3A_216 : i32 to index
        %swap3A_218 = arith.index_cast %add3A_129 : i32 to index
        %swap3A_219 = arith.constant 64 : index
        %swap3A_220 = tpu.vector_load %arg8[%swap3A_217, %swap3A_218, %swap3A_219] {strides = array<i32>} : memref<4x200x128xf32, #tpu.memory_space<vmem>>, vector<1x1x16xf32>,
        %swap3A_221 = vector.shape_cast %swap3A_220 : vector<1x1x16xf32> to vector<16xf32>
        %swap3A_222 = vector.shape_cast %add3A_215 : vector<16xf32> to vector<1x1x16xf32>
        tpu.vector_store %arg8[%swap3A_217, %swap3A_218, %swap3A_219], %swap3A_222 {strides = array<i32>} : memref<4x200x128xf32, #tpu.memory_space<vmem>>, vector<1x1x16xf32>,
        %get3A_223 = arith.constant 0 : i32
        %get3A_224 = arith.index_cast %get3A_223 : i32 to index
        %get3A_225 = arith.index_cast %add3A_129 : i32 to index
        %get3A_226 = arith.constant 80 : index
        %get3A_227 = tpu.vector_load %arg8[%get3A_224, %get3A_225, %get3A_226] {strides = array<i32>} : memref<4x200x128xf32, #tpu.memory_space<vmem>>, vector<1x1x16xf32>,
        %get3A_228 = vector.shape_cast %get3A_227 : vector<1x1x16xf32> to vector<16xf32>
        %get3A_229 = arith.constant 0 : i32
        %get3A_230 = arith.index_cast %get3A_229 : i32 to index
        %get3A_231 = arith.constant 80 : index
        %get3A_232 = tpu.vector_load %arg9[%get3A_230, %get3A_231] {strides = array<i32>} : memref<1x128xf32, #tpu.memory_space<vmem>>, vector<1x16xf32>,
        %get3A_233 = vector.shape_cast %get3A_232 : vector<1x16xf32> to vector<16xf32>
        %add3A_234 = arith.addf %get3A_228, %get3A_233 : vector<16xf32>
        %swap3A_235 = arith.constant 0 : i32
        %swap3A_236 = arith.index_cast %swap3A_235 : i32 to index
        %swap3A_237 = arith.index_cast %add3A_129 : i32 to index
        %swap3A_238 = arith.constant 80 : index
        %swap3A_239 = tpu.vector_load %arg8[%swap3A_236, %swap3A_237, %swap3A_238] {strides = array<i32>} : memref<4x200x128xf32, #tpu.memory_space<vmem>>, vector<1x1x16xf32>,
        %swap3A_240 = vector.shape_cast %swap3A_239 : vector<1x1x16xf32> to vector<16xf32>
        %swap3A_241 = vector.shape_cast %add3A_234 : vector<16xf32> to vector<1x1x16xf32>
        tpu.vector_store %arg8[%swap3A_236, %swap3A_237, %swap3A_238], %swap3A_241 {strides = array<i32>} : memref<4x200x128xf32, #tpu.memory_space<vmem>>, vector<1x1x16xf32>,
        %get3A_242 = arith.constant 0 : i32
        %get3A_243 = arith.index_cast %get3A_242 : i32 to index
        %get3A_244 = arith.index_cast %add3A_129 : i32 to index
        %get3A_245 = arith.constant 96 : index
        %get3A_246 = tpu.vector_load %arg8[%get3A_243, %get3A_244, %get3A_245] {strides = array<i32>} : memref<4x200x128xf32, #tpu.memory_space<vmem>>, vector<1x1x16xf32>,
        %get3A_247 = vector.shape_cast %get3A_246 : vector<1x1x16xf32> to vector<16xf32>
        %get3A_248 = arith.constant 0 : i32
        %get3A_249 = arith.index_cast %get3A_248 : i32 to index
        %get3A_250 = arith.constant 96 : index
        %get3A_251 = tpu.vector_load %arg9[%get3A_249, %get3A_250] {strides = array<i32>} : memref<1x128xf32, #tpu.memory_space<vmem>>, vector<1x16xf32>,
        %get3A_252 = vector.shape_cast %get3A_251 : vector<1x16xf32> to vector<16xf32>
        %add3A_253 = arith.addf %get3A_247, %get3A_252 : vector<16xf32>
        %swap3A_254 = arith.constant 0 : i32
        %swap3A_255 = arith.index_cast %swap3A_254 : i32 to index
        %swap3A_256 = arith.index_cast %add3A_129 : i32 to index
        %swap3A_257 = arith.constant 96 : index
        %swap3A_258 = tpu.vector_load %arg8[%swap3A_255, %swap3A_256, %swap3A_257] {strides = array<i32>} : memref<4x200x128xf32, #tpu.memory_space<vmem>>, vector<1x1x16xf32>,
        %swap3A_259 = vector.shape_cast %swap3A_258 : vector<1x1x16xf32> to vector<16xf32>
        %swap3A_260 = vector.shape_cast %add3A_253 : vector<16xf32> to vector<1x1x16xf32>
        tpu.vector_store %arg8[%swap3A_255, %swap3A_256, %swap3A_257], %swap3A_260 {strides = array<i32>} : memref<4x200x128xf32, #tpu.memory_space<vmem>>, vector<1x1x16xf32>,
        %get3A_261 = arith.constant 0 : i32
        %get3A_262 = arith.index_cast %get3A_261 : i32 to index
        %get3A_263 = arith.index_cast %add3A_129 : i32 to index
        %get3A_264 = arith.constant 112 : index
        %get3A_265 = tpu.vector_load %arg8[%get3A_262, %get3A_263, %get3A_264] {strides = array<i32>} : memref<4x200x128xf32, #tpu.memory_space<vmem>>, vector<1x1x16xf32>,
        %get3A_266 = vector.shape_cast %get3A_265 : vector<1x1x16xf32> to vector<16xf32>
        %get3A_267 = arith.constant 0 : i32
        %get3A_268 = arith.index_cast %get3A_267 : i32 to index
        %get3A_269 = arith.constant 112 : index
        %get3A_270 = tpu.vector_load %arg9[%get3A_268, %get3A_269] {strides = array<i32>} : memref<1x128xf32, #tpu.memory_space<vmem>>, vector<1x16xf32>,
        %get3A_271 = vector.shape_cast %get3A_270 : vector<1x16xf32> to vector<16xf32>
        %add3A_272 = arith.addf %get3A_266, %get3A_271 : vector<16xf32>
        %swap3A_273 = arith.constant 0 : i32
        %swap3A_274 = arith.index_cast %swap3A_273 : i32 to index
        %swap3A_275 = arith.index_cast %add3A_129 : i32 to index
        %swap3A_276 = arith.constant 112 : index
        %swap3A_277 = tpu.vector_load %arg8[%swap3A_274, %swap3A_275, %swap3A_276] {strides = array<i32>} : memref<4x200x128xf32, #tpu.memory_space<vmem>>, vector<1x1x16xf32>,
        %swap3A_278 = vector.shape_cast %swap3A_277 : vector<1x1x16xf32> to vector<16xf32>
        %swap3A_279 = vector.shape_cast %add3A_272 : vector<16xf32> to vector<1x1x16xf32>
        tpu.vector_store %arg8[%swap3A_274, %swap3A_275, %swap3A_276], %swap3A_279 {strides = array<i32>} : memref<4x200x128xf32, #tpu.memory_space<vmem>>, vector<1x1x16xf32>,
      }
      %scan3A_123 = arith.constant 200 : i32
      %run_scoped3A_124 = arith.constant 0 : i32
      "tpu.region"() ({
        %run_scoped3A_125 = tpu.sem_alloc : memref<!tpu.dma_semaphore, #tpu.memory_space<semaphore_mem>>
        %dma_start3A_126 = arith.constant 0 : i32
        %dma_start3A_127 = arith.constant 0 : i32
        %dma_start3A_128 = tpu.memref_slice %arg8[%run_scoped3A_124, %dma_start3A_126, %dma_start3A_127] : memref<4x200x128xf32, #tpu.memory_space<vmem>> -> memref<1x200x128xf32, #tpu.memory_space<vmem>>
        %dma_start3A_129 = tpu.memref_squeeze %dma_start3A_128 : memref<1x200x128xf32, #tpu.memory_space<vmem>> -> memref<200x128xf32, #tpu.memory_space<vmem>>
        %dma_start3A_130 = arith.constant 0 : i32
        %dma_start3A_131 = arith.constant 0 : i32
        %dma_start3A_132 = tpu.memref_slice %arg8[%run_scoped3A_124, %dma_start3A_130, %dma_start3A_131] : memref<4x200x128xf32, #tpu.memory_space<vmem>> -> memref<1x200x128xf32, #tpu.memory_space<vmem>>
        %dma_start3A_133 = tpu.memref_squeeze %dma_start3A_132 : memref<1x200x128xf32, #tpu.memory_space<vmem>> -> memref<200x128xf32, #tpu.memory_space<vmem>>
        tpu.enqueue_dma source(%dma_start3A_133 : memref<200x128xf32, #tpu.memory_space<vmem>>) target(%arg10 : memref<200x128xf32, #tpu.memory_space<vmem_shared>>) target_semaphore(%run_scoped3A_125 : memref<!tpu.dma_semaphore, #tpu.memory_space<semaphore_mem>>)
        %dma_wait3A_134 = arith.constant 0 : i32
        %dma_wait3A_135 = arith.constant 0 : i32
        %dma_wait3A_136 = tpu.memref_slice %arg8[%run_scoped3A_124, %dma_wait3A_134, %dma_wait3A_135] : memref<4x200x128xf32, #tpu.memory_space<vmem>> -> memref<1x200x128xf32, #tpu.memory_space<vmem>>
        %dma_wait3A_137 = tpu.memref_squeeze %dma_wait3A_136 : memref<1x200x128xf32, #tpu.memory_space<vmem>> -> memref<200x128xf32, #tpu.memory_space<vmem>>
        %dma_wait3A_138 = arith.constant 0 : i32
        %dma_wait3A_139 = arith.constant 0 : i32
        %dma_wait3A_140 = tpu.memref_slice %arg8[%run_scoped3A_124, %dma_wait3A_138, %dma_wait3A_139] : memref<4x200x128xf32, #tpu.memory_space<vmem>> -> memref<1x200x128xf32, #tpu.memory_space<vmem>>
        %dma_wait3A_141 = tpu.memref_squeeze %dma_wait3A_140 : memref<1x200x128xf32, #tpu.memory_space<vmem>> -> memref<200x128xf32, #tpu.memory_space<vmem>>
        tpu.wait_dma2 semaphore(%run_scoped3A_125 : memref<!tpu.dma_semaphore, #tpu.memory_space<semaphore_mem>>) src(%dma_wait3A_141 : memref<200x128xf32, #tpu.memory_space<vmem>>) dst(%arg10 : memref<200x128xf32, #tpu.memory_space<vmem_shared>>)
        tpu.yield
      }) : () -> ()
    } else {
    }
    %barrier3A = arith.constant 0 : index
    tpu.barrier barrier_id(%barrier3A)
    %run_scoped3A = arith.constant 0 : i32
    "tpu.region"() ({
      %run_scoped3A_118 = tpu.sem_alloc : memref<!tpu.dma_semaphore, #tpu.memory_space<semaphore_mem>>
      %dma_start3A_119 = arith.constant 0 : i32
      %dma_start3A_120 = arith.constant 0 : i32
      %dma_start3A_121 = tpu.memref_slice %arg8[%run_scoped3A, %dma_start3A_119, %dma_start3A_120] : memref<4x200x128xf32, #tpu.memory_space<vmem>> -> memref<1x200x128xf32, #tpu.memory_space<vmem>>
      %dma_start3A_122 = tpu.memref_squeeze %dma_start3A_121 : memref<1x200x128xf32, #tpu.memory_space<vmem>> -> memref<200x128xf32, #tpu.memory_space<vmem>>
      %dma_start3A_123 = arith.constant 0 : i32
      %dma_start3A_124 = arith.constant 0 : i32
      %dma_start3A_125 = tpu.memref_slice %arg8[%run_scoped3A, %dma_start3A_123, %dma_start3A_124] : memref<4x200x128xf32, #tpu.memory_space<vmem>> -> memref<1x200x128xf32, #tpu.memory_space<vmem>>
      %dma_start3A_126 = tpu.memref_squeeze %dma_start3A_125 : memref<1x200x128xf32, #tpu.memory_space<vmem>> -> memref<200x128xf32, #tpu.memory_space<vmem>>
      tpu.enqueue_dma source(%arg10 : memref<200x128xf32, #tpu.memory_space<vmem_shared>>) target(%dma_start3A_126 : memref<200x128xf32, #tpu.memory_space<vmem>>) target_semaphore(%run_scoped3A_118 : memref<!tpu.dma_semaphore, #tpu.memory_space<semaphore_mem>>)
      %dma_wait3A_127 = arith.constant 0 : i32
      %dma_wait3A_128 = arith.constant 0 : i32
      %dma_wait3A_129 = tpu.memref_slice %arg8[%run_scoped3A, %dma_wait3A_127, %dma_wait3A_128] : memref<4x200x128xf32, #tpu.memory_space<vmem>> -> memref<1x200x128xf32, #tpu.memory_space<vmem>>
      %dma_wait3A_130 = tpu.memref_squeeze %dma_wait3A_129 : memref<1x200x128xf32, #tpu.memory_space<vmem>> -> memref<200x128xf32, #tpu.memory_space<vmem>>
      %dma_wait3A_131 = arith.constant 0 : i32
      %dma_wait3A_132 = arith.constant 0 : i32
      %dma_wait3A_133 = tpu.memref_slice %arg8[%run_scoped3A, %dma_wait3A_131, %dma_wait3A_132] : memref<4x200x128xf32, #tpu.memory_space<vmem>> -> memref<1x200x128xf32, #tpu.memory_space<vmem>>
      %dma_wait3A_134 = tpu.memref_squeeze %dma_wait3A_133 : memref<1x200x128xf32, #tpu.memory_space<vmem>> -> memref<200x128xf32, #tpu.memory_space<vmem>>
      tpu.wait_dma2 semaphore(%run_scoped3A_118 : memref<!tpu.dma_semaphore, #tpu.memory_space<semaphore_mem>>) src(%arg10 : memref<200x128xf32, #tpu.memory_space<vmem_shared>>) dst(%dma_wait3A_134 : memref<200x128xf32, #tpu.memory_space<vmem>>)
      tpu.yield
    }) : () -> ()
    %dma_start3A = arith.constant 0 : i32
    %dma_start3A_7 = arith.constant 0 : i32
    %dma_start3A_8 = arith.constant 0 : i32
    %dma_start3A_9 = arith.constant 0 : i32
    %dma_start3A_10 = tpu.memref_slice %arg8[%dma_start3A_7, %dma_start3A_8, %dma_start3A_9] : memref<4x200x128xf32, #tpu.memory_space<vmem>> -> memref<1x128x128xf32, #tpu.memory_space<vmem>>
    %dma_start3A_11 = tpu.memref_squeeze %dma_start3A_10 : memref<1x128x128xf32, #tpu.memory_space<vmem>> -> memref<128x128xf32, #tpu.memory_space<vmem>>
    %dma_start3A_12 = arith.constant 0 : i32
    %dma_start3A_13 = tpu.memref_slice %arg7[%dma_start3A, %dma_start3A_12] : memref<32x200xi32, #tpu.memory_space<vmem>> -> memref<1x128xi32, #tpu.memory_space<vmem>>
    %dma_start3A_14 = tpu.memref_squeeze %dma_start3A_13 : memref<1x128xi32, #tpu.memory_space<vmem>> -> memref<128xi32, #tpu.memory_space<vmem>>
    %dma_start3A_15 = arith.constant 0 : i32
    %dma_start3A_16 = arith.constant 0 : i32
    %dma_start3A_17 = tpu.memref_slice %arg3[%dma_start3A_15, %dma_start3A_16] : memref<100000x128xf32, #tpu.memory_space<hbm>> -> memref<100000x128xf32, #tpu.memory_space<hbm>>
    tpu.enqueue_indirect_dma source(%dma_start3A_17 : memref<100000x128xf32, #tpu.memory_space<hbm>>) target(%dma_start3A_11 : memref<128x128xf32, #tpu.memory_space<vmem>>) offsets(%dma_start3A_14 : memref<128xi32, #tpu.memory_space<vmem>>) semaphore(%arg11 : memref<!tpu.dma_semaphore, #tpu.memory_space<semaphore_mem>>) {add = true}
    %dma_start3A_18 = arith.constant 0 : i32
    %dma_start3A_19 = arith.constant 0 : i32
    %dma_start3A_20 = arith.constant 128 : i32
    %dma_start3A_21 = arith.constant 0 : i32
    %dma_start3A_22 = tpu.memref_slice %arg8[%dma_start3A_19, %dma_start3A_20, %dma_start3A_21] : memref<4x200x128xf32, #tpu.memory_space<vmem>> -> memref<1x72x128xf32, #tpu.memory_space<vmem>>
    %dma_start3A_23 = tpu.memref_squeeze %dma_start3A_22 : memref<1x72x128xf32, #tpu.memory_space<vmem>> -> memref<72x128xf32, #tpu.memory_space<vmem>>
    %dma_start3A_24 = arith.constant 128 : i32
    %dma_start3A_25 = tpu.memref_slice %arg7[%dma_start3A_18, %dma_start3A_24] : memref<32x200xi32, #tpu.memory_space<vmem>> -> memref<1x72xi32, #tpu.memory_space<vmem>>
    %dma_start3A_26 = tpu.memref_squeeze %dma_start3A_25 : memref<1x72xi32, #tpu.memory_space<vmem>> -> memref<72xi32, #tpu.memory_space<vmem>>
    %dma_start3A_27 = arith.constant 0 : i32
    %dma_start3A_28 = arith.constant 0 : i32
    %dma_start3A_29 = tpu.memref_slice %arg3[%dma_start3A_27, %dma_start3A_28] : memref<100000x128xf32, #tpu.memory_space<hbm>> -> memref<100000x128xf32, #tpu.memory_space<hbm>>
    tpu.enqueue_indirect_dma source(%dma_start3A_29 : memref<100000x128xf32, #tpu.memory_space<hbm>>) target(%dma_start3A_23 : memref<72x128xf32, #tpu.memory_space<vmem>>) offsets(%dma_start3A_26 : memref<72xi32, #tpu.memory_space<vmem>>) semaphore(%arg11 : memref<!tpu.dma_semaphore, #tpu.memory_space<semaphore_mem>>) {add = true}
    %run_scoped3A_30 = arith.constant 1 : i32
    "tpu.region"() ({
      %run_scoped3A_118 = tpu.sem_alloc : memref<!tpu.dma_semaphore, #tpu.memory_space<semaphore_mem>>
      %dma_start3A_119 = arith.constant 0 : i32
      %dma_start3A_120 = arith.constant 0 : i32
      %dma_start3A_121 = tpu.memref_slice %arg8[%run_scoped3A_30, %dma_start3A_119, %dma_start3A_120] : memref<4x200x128xf32, #tpu.memory_space<vmem>> -> memref<1x200x128xf32, #tpu.memory_space<vmem>>
      %dma_start3A_122 = tpu.memref_squeeze %dma_start3A_121 : memref<1x200x128xf32, #tpu.memory_space<vmem>> -> memref<200x128xf32, #tpu.memory_space<vmem>>
      %dma_start3A_123 = arith.constant 0 : i32
      %dma_start3A_124 = arith.constant 0 : i32
      %dma_start3A_125 = tpu.memref_slice %arg8[%run_scoped3A_30, %dma_start3A_123, %dma_start3A_124] : memref<4x200x128xf32, #tpu.memory_space<vmem>> -> memref<1x200x128xf32, #tpu.memory_space<vmem>>
      %dma_start3A_126 = tpu.memref_squeeze %dma_start3A_125 : memref<1x200x128xf32, #tpu.memory_space<vmem>> -> memref<200x128xf32, #tpu.memory_space<vmem>>
      tpu.enqueue_dma source(%arg10 : memref<200x128xf32, #tpu.memory_space<vmem_shared>>) target(%dma_start3A_126 : memref<200x128xf32, #tpu.memory_space<vmem>>) target_semaphore(%run_scoped3A_118 : memref<!tpu.dma_semaphore, #tpu.memory_space<semaphore_mem>>)
      %dma_wait3A_127 = arith.constant 0 : i32
      %dma_wait3A_128 = arith.constant 0 : i32
      %dma_wait3A_129 = tpu.memref_slice %arg8[%run_scoped3A_30, %dma_wait3A_127, %dma_wait3A_128] : memref<4x200x128xf32, #tpu.memory_space<vmem>> -> memref<1x200x128xf32, #tpu.memory_space<vmem>>
      %dma_wait3A_130 = tpu.memref_squeeze %dma_wait3A_129 : memref<1x200x128xf32, #tpu.memory_space<vmem>> -> memref<200x128xf32, #tpu.memory_space<vmem>>
      %dma_wait3A_131 = arith.constant 0 : i32
      %dma_wait3A_132 = arith.constant 0 : i32
      %dma_wait3A_133 = tpu.memref_slice %arg8[%run_scoped3A_30, %dma_wait3A_131, %dma_wait3A_132] : memref<4x200x128xf32, #tpu.memory_space<vmem>> -> memref<1x200x128xf32, #tpu.memory_space<vmem>>
      %dma_wait3A_134 = tpu.memref_squeeze %dma_wait3A_133 : memref<1x200x128xf32, #tpu.memory_space<vmem>> -> memref<200x128xf32, #tpu.memory_space<vmem>>
      tpu.wait_dma2 semaphore(%run_scoped3A_118 : memref<!tpu.dma_semaphore, #tpu.memory_space<semaphore_mem>>) src(%arg10 : memref<200x128xf32, #tpu.memory_space<vmem_shared>>) dst(%dma_wait3A_134 : memref<200x128xf32, #tpu.memory_space<vmem>>)
      tpu.yield
    }) : () -> ()
    %dma_start3A_31 = arith.constant 1 : i32
    %dma_start3A_32 = arith.constant 1 : i32
    %dma_start3A_33 = arith.constant 0 : i32
    %dma_start3A_34 = arith.constant 0 : i32
    %dma_start3A_35 = tpu.memref_slice %arg8[%dma_start3A_32, %dma_start3A_33, %dma_start3A_34] : memref<4x200x128xf32, #tpu.memory_space<vmem>> -> memref<1x128x128xf32, #tpu.memory_space<vmem>>
    %dma_start3A_36 = tpu.memref_squeeze %dma_start3A_35 : memref<1x128x128xf32, #tpu.memory_space<vmem>> -> memref<128x128xf32, #tpu.memory_space<vmem>>
    %dma_start3A_37 = arith.constant 0 : i32
    %dma_start3A_38 = tpu.memref_slice %arg7[%dma_start3A_31, %dma_start3A_37] : memref<32x200xi32, #tpu.memory_space<vmem>> -> memref<1x128xi32, #tpu.memory_space<vmem>>
    %dma_start3A_39 = tpu.memref_squeeze %dma_start3A_38 : memref<1x128xi32, #tpu.memory_space<vmem>> -> memref<128xi32, #tpu.memory_space<vmem>>
    %dma_start3A_40 = arith.constant 0 : i32
    %dma_start3A_41 = arith.constant 0 : i32
    %dma_start3A_42 = tpu.memref_slice %arg3[%dma_start3A_40, %dma_start3A_41] : memref<100000x128xf32, #tpu.memory_space<hbm>> -> memref<100000x128xf32, #tpu.memory_space<hbm>>
    tpu.enqueue_indirect_dma source(%dma_start3A_42 : memref<100000x128xf32, #tpu.memory_space<hbm>>) target(%dma_start3A_36 : memref<128x128xf32, #tpu.memory_space<vmem>>) offsets(%dma_start3A_39 : memref<128xi32, #tpu.memory_space<vmem>>) semaphore(%arg12 : memref<!tpu.dma_semaphore, #tpu.memory_space<semaphore_mem>>) {add = true}
    %dma_start3A_43 = arith.constant 1 : i32
    %dma_start3A_44 = arith.constant 1 : i32
    %dma_start3A_45 = arith.constant 128 : i32
    %dma_start3A_46 = arith.constant 0 : i32
    %dma_start3A_47 = tpu.memref_slice %arg8[%dma_start3A_44, %dma_start3A_45, %dma_start3A_46] : memref<4x200x128xf32, #tpu.memory_space<vmem>> -> memref<1x72x128xf32, #tpu.memory_space<vmem>>
    %dma_start3A_48 = tpu.memref_squeeze %dma_start3A_47 : memref<1x72x128xf32, #tpu.memory_space<vmem>> -> memref<72x128xf32, #tpu.memory_space<vmem>>
    %dma_start3A_49 = arith.constant 128 : i32
    %dma_start3A_50 = tpu.memref_slice %arg7[%dma_start3A_43, %dma_start3A_49] : memref<32x200xi32, #tpu.memory_space<vmem>> -> memref<1x72xi32, #tpu.memory_space<vmem>>
    %dma_start3A_51 = tpu.memref_squeeze %dma_start3A_50 : memref<1x72xi32, #tpu.memory_space<vmem>> -> memref<72xi32, #tpu.memory_space<vmem>>
    %dma_start3A_52 = arith.constant 0 : i32
    %dma_start3A_53 = arith.constant 0 : i32
    %dma_start3A_54 = tpu.memref_slice %arg3[%dma_start3A_52, %dma_start3A_53] : memref<100000x128xf32, #tpu.memory_space<hbm>> -> memref<100000x128xf32, #tpu.memory_space<hbm>>
    tpu.enqueue_indirect_dma source(%dma_start3A_54 : memref<100000x128xf32, #tpu.memory_space<hbm>>) target(%dma_start3A_48 : memref<72x128xf32, #tpu.memory_space<vmem>>) offsets(%dma_start3A_51 : memref<72xi32, #tpu.memory_space<vmem>>) semaphore(%arg12 : memref<!tpu.dma_semaphore, #tpu.memory_space<semaphore_mem>>) {add = true}
    %scan3A = arith.constant 0 : i32
    %scan3A_55 = arith.constant 8 : i32
    %scan3A_56 = arith.addi %scan3A, %scan3A_55 : i32
    %scan3A_57 = arith.constant 1 : i32
    scf.for %scan3A_118 = %scan3A to %scan3A_56 step %scan3A_57  : i32 {
      %mul3A_119 = arith.constant 1 : i32
      %mul3A_120 = arith.muli %scan3A_118, %mul3A_119 : i32
      %add3A_121 = arith.constant 0 : i32
      %add3A_122 = arith.addi %add3A_121, %mul3A_120 : i32
      %mul3A_123 = arith.constant 4 : i32
      %mul3A_124 = arith.muli %add3A_122, %mul3A_123 : i32
      %add3A_125 = arith.constant 0 : i32
      %add3A_126 = arith.addi %mul3A_124, %add3A_125 : i32
      %dma_wait3A_127 = arith.constant 0 : i32
      %dma_wait3A_128 = arith.constant 0 : i32
      %dma_wait3A_129 = arith.constant 0 : i32
      %dma_wait3A_130 = arith.constant 0 : i32
      %dma_wait3A_131 = tpu.memref_slice %arg8[%dma_wait3A_128, %dma_wait3A_129, %dma_wait3A_130] : memref<4x200x128xf32, #tpu.memory_space<vmem>> -> memref<1x128x128xf32, #tpu.memory_space<vmem>>
      %dma_wait3A_132 = tpu.memref_squeeze %dma_wait3A_131 : memref<1x128x128xf32, #tpu.memory_space<vmem>> -> memref<128x128xf32, #tpu.memory_space<vmem>>
      %dma_wait3A_133 = arith.constant 0 : i32
      %dma_wait3A_134 = tpu.memref_slice %arg7[%dma_wait3A_127, %dma_wait3A_133] : memref<32x200xi32, #tpu.memory_space<vmem>> -> memref<1x128xi32, #tpu.memory_space<vmem>>
      %dma_wait3A_135 = tpu.memref_squeeze %dma_wait3A_134 : memref<1x128xi32, #tpu.memory_space<vmem>> -> memref<128xi32, #tpu.memory_space<vmem>>
      %dma_wait3A_136 = arith.constant 0 : i32
      %dma_wait3A_137 = arith.constant 0 : i32
      %dma_wait3A_138 = tpu.memref_slice %arg3[%dma_wait3A_136, %dma_wait3A_137] : memref<100000x128xf32, #tpu.memory_space<hbm>> -> memref<100000x128xf32, #tpu.memory_space<hbm>>
      tpu.wait_indirect_dma semaphore(%arg11 : memref<!tpu.dma_semaphore, #tpu.memory_space<semaphore_mem>>) src(%dma_wait3A_138 : memref<100000x128xf32, #tpu.memory_space<hbm>>) dst(%dma_wait3A_132 : memref<128x128xf32, #tpu.memory_space<vmem>>)
      %dma_wait3A_139 = arith.constant 0 : i32
      %dma_wait3A_140 = arith.constant 0 : i32
      %dma_wait3A_141 = arith.constant 128 : i32
      %dma_wait3A_142 = arith.constant 0 : i32
      %dma_wait3A_143 = tpu.memref_slice %arg8[%dma_wait3A_140, %dma_wait3A_141, %dma_wait3A_142] : memref<4x200x128xf32, #tpu.memory_space<vmem>> -> memref<1x72x128xf32, #tpu.memory_space<vmem>>
      %dma_wait3A_144 = tpu.memref_squeeze %dma_wait3A_143 : memref<1x72x128xf32, #tpu.memory_space<vmem>> -> memref<72x128xf32, #tpu.memory_space<vmem>>
      %dma_wait3A_145 = arith.constant 128 : i32
      %dma_wait3A_146 = tpu.memref_slice %arg7[%dma_wait3A_139, %dma_wait3A_145] : memref<32x200xi32, #tpu.memory_space<vmem>> -> memref<1x72xi32, #tpu.memory_space<vmem>>
      %dma_wait3A_147 = tpu.memref_squeeze %dma_wait3A_146 : memref<1x72xi32, #tpu.memory_space<vmem>> -> memref<72xi32, #tpu.memory_space<vmem>>
      %dma_wait3A_148 = arith.constant 0 : i32
      %dma_wait3A_149 = arith.constant 0 : i32
      %dma_wait3A_150 = tpu.memref_slice %arg3[%dma_wait3A_148, %dma_wait3A_149] : memref<100000x128xf32, #tpu.memory_space<hbm>> -> memref<100000x128xf32, #tpu.memory_space<hbm>>
      tpu.wait_indirect_dma semaphore(%arg11 : memref<!tpu.dma_semaphore, #tpu.memory_space<semaphore_mem>>) src(%dma_wait3A_150 : memref<100000x128xf32, #tpu.memory_space<hbm>>) dst(%dma_wait3A_144 : memref<72x128xf32, #tpu.memory_space<vmem>>)
      %mul3A_151 = arith.constant 200 : i32
      %mul3A_152 = arith.muli %add3A_126, %mul3A_151 : i32
      %add3A_153 = arith.addi %mul3A_2, %mul3A_152 : i32
      %dma_start3A_154 = arith.constant 0 : i32
      %dma_start3A_155 = arith.constant 0 : i32
      %dma_start3A_156 = arith.constant 0 : i32
      %dma_start3A_157 = tpu.memref_slice %arg8[%dma_start3A_154, %dma_start3A_155, %dma_start3A_156] : memref<4x200x128xf32, #tpu.memory_space<vmem>> -> memref<1x200x128xf32, #tpu.memory_space<vmem>>
      %dma_start3A_158 = tpu.memref_squeeze %dma_start3A_157 : memref<1x200x128xf32, #tpu.memory_space<vmem>> -> memref<200x128xf32, #tpu.memory_space<vmem>>
      %dma_start3A_159 = arith.constant 0 : i32
      %dma_start3A_160 = tpu.memref_slice %arg6[%add3A_153, %dma_start3A_159] : memref<204800x128xf32, #tpu.memory_space<hbm>> -> memref<200x128xf32, #tpu.memory_space<hbm>>
      %dma_start3A_161 = arith.constant 0 : i32
      %dma_start3A_162 = tpu.memref_slice %arg6[%add3A_153, %dma_start3A_161] : memref<204800x128xf32, #tpu.memory_space<hbm>> -> memref<200x128xf32, #tpu.memory_space<hbm>>
      %dma_start3A_163 = arith.constant 0 : i32
      %dma_start3A_164 = arith.constant 0 : i32
      %dma_start3A_165 = tpu.memref_slice %arg8[%dma_start3A_154, %dma_start3A_163, %dma_start3A_164] : memref<4x200x128xf32, #tpu.memory_space<vmem>> -> memref<1x200x128xf32, #tpu.memory_space<vmem>>
      %dma_start3A_166 = tpu.memref_squeeze %dma_start3A_165 : memref<1x200x128xf32, #tpu.memory_space<vmem>> -> memref<200x128xf32, #tpu.memory_space<vmem>>
      tpu.enqueue_dma source(%dma_start3A_166 : memref<200x128xf32, #tpu.memory_space<vmem>>) target(%dma_start3A_162 : memref<200x128xf32, #tpu.memory_space<hbm>>) target_semaphore(%arg15 : memref<!tpu.dma_semaphore, #tpu.memory_space<semaphore_mem>>)
      %add3A_167 = arith.constant 2 : i32
      %add3A_168 = arith.addi %add3A_126, %add3A_167 : i32
      %lt3A = arith.constant 32 : i32
      %lt3A_169 = arith.cmpi slt, %add3A_168, %lt3A : i32
      %convert_element_type3A_170 = arith.extui %lt3A_169 : i1 to i32
      %cond3A_171 = arith.constant 0 : i32
      %cond3A_172 = arith.cmpi ne, %convert_element_type3A_170, %cond3A_171 : i32
      scf.if %cond3A_172 {
        %ge3A = arith.constant 4 : i32
        %ge3A_326 = arith.cmpi sge, %add3A_168, %ge3A : i32
        %convert_element_type3A_327 = arith.extui %ge3A_326 : i1 to i32
        %cond3A_328 = arith.constant 0 : i32
        %cond3A_329 = arith.cmpi ne, %convert_element_type3A_327, %cond3A_328 : i32
        scf.if %cond3A_329 {
          %dma_wait3A_353 = arith.constant 2 : i32
          %dma_wait3A_354 = arith.constant 0 : i32
          %dma_wait3A_355 = arith.constant 0 : i32
          %dma_wait3A_356 = tpu.memref_slice %arg8[%dma_wait3A_353, %dma_wait3A_354, %dma_wait3A_355] : memref<4x200x128xf32, #tpu.memory_space<vmem>> -> memref<1x200x128xf32, #tpu.memory_space<vmem>>
          %dma_wait3A_357 = tpu.memref_squeeze %dma_wait3A_356 : memref<1x200x128xf32, #tpu.memory_space<vmem>> -> memref<200x128xf32, #tpu.memory_space<vmem>>
          %dma_wait3A_358 = arith.constant 0 : i32
          %dma_wait3A_359 = arith.constant 0 : i32
          %dma_wait3A_360 = tpu.memref_slice %arg6[%dma_wait3A_358, %dma_wait3A_359] : memref<204800x128xf32, #tpu.memory_space<hbm>> -> memref<200x128xf32, #tpu.memory_space<hbm>>
          %dma_wait3A_361 = arith.constant 0 : i32
          %dma_wait3A_362 = arith.constant 0 : i32
          %dma_wait3A_363 = tpu.memref_slice %arg6[%dma_wait3A_361, %dma_wait3A_362] : memref<204800x128xf32, #tpu.memory_space<hbm>> -> memref<200x128xf32, #tpu.memory_space<hbm>>
          %dma_wait3A_364 = arith.constant 0 : i32
          %dma_wait3A_365 = arith.constant 0 : i32
          %dma_wait3A_366 = tpu.memref_slice %arg8[%dma_wait3A_353, %dma_wait3A_364, %dma_wait3A_365] : memref<4x200x128xf32, #tpu.memory_space<vmem>> -> memref<1x200x128xf32, #tpu.memory_space<vmem>>
          %dma_wait3A_367 = tpu.memref_squeeze %dma_wait3A_366 : memref<1x200x128xf32, #tpu.memory_space<vmem>> -> memref<200x128xf32, #tpu.memory_space<vmem>>
          tpu.wait_dma2 semaphore(%arg17 : memref<!tpu.dma_semaphore, #tpu.memory_space<semaphore_mem>>) src(%dma_wait3A_367 : memref<200x128xf32, #tpu.memory_space<vmem>>) dst(%dma_wait3A_363 : memref<200x128xf32, #tpu.memory_space<hbm>>)
        } else {
        }
        %run_scoped3A_330 = arith.constant 2 : i32
        "tpu.region"() ({
          %run_scoped3A_353 = tpu.sem_alloc : memref<!tpu.dma_semaphore, #tpu.memory_space<semaphore_mem>>
          %dma_start3A_354 = arith.constant 0 : i32
          %dma_start3A_355 = arith.constant 0 : i32
          %dma_start3A_356 = tpu.memref_slice %arg8[%run_scoped3A_330, %dma_start3A_354, %dma_start3A_355] : memref<4x200x128xf32, #tpu.memory_space<vmem>> -> memref<1x200x128xf32, #tpu.memory_space<vmem>>
          %dma_start3A_357 = tpu.memref_squeeze %dma_start3A_356 : memref<1x200x128xf32, #tpu.memory_space<vmem>> -> memref<200x128xf32, #tpu.memory_space<vmem>>
          %dma_start3A_358 = arith.constant 0 : i32
          %dma_start3A_359 = arith.constant 0 : i32
          %dma_start3A_360 = tpu.memref_slice %arg8[%run_scoped3A_330, %dma_start3A_358, %dma_start3A_359] : memref<4x200x128xf32, #tpu.memory_space<vmem>> -> memref<1x200x128xf32, #tpu.memory_space<vmem>>
          %dma_start3A_361 = tpu.memref_squeeze %dma_start3A_360 : memref<1x200x128xf32, #tpu.memory_space<vmem>> -> memref<200x128xf32, #tpu.memory_space<vmem>>
          tpu.enqueue_dma source(%arg10 : memref<200x128xf32, #tpu.memory_space<vmem_shared>>) target(%dma_start3A_361 : memref<200x128xf32, #tpu.memory_space<vmem>>) target_semaphore(%run_scoped3A_353 : memref<!tpu.dma_semaphore, #tpu.memory_space<semaphore_mem>>)
          %dma_wait3A_362 = arith.constant 0 : i32
          %dma_wait3A_363 = arith.constant 0 : i32
          %dma_wait3A_364 = tpu.memref_slice %arg8[%run_scoped3A_330, %dma_wait3A_362, %dma_wait3A_363] : memref<4x200x128xf32, #tpu.memory_space<vmem>> -> memref<1x200x128xf32, #tpu.memory_space<vmem>>
          %dma_wait3A_365 = tpu.memref_squeeze %dma_wait3A_364 : memref<1x200x128xf32, #tpu.memory_space<vmem>> -> memref<200x128xf32, #tpu.memory_space<vmem>>
          %dma_wait3A_366 = arith.constant 0 : i32
          %dma_wait3A_367 = arith.constant 0 : i32
          %dma_wait3A_368 = tpu.memref_slice %arg8[%run_scoped3A_330, %dma_wait3A_366, %dma_wait3A_367] : memref<4x200x128xf32, #tpu.memory_space<vmem>> -> memref<1x200x128xf32, #tpu.memory_space<vmem>>
          %dma_wait3A_369 = tpu.memref_squeeze %dma_wait3A_368 : memref<1x200x128xf32, #tpu.memory_space<vmem>> -> memref<200x128xf32, #tpu.memory_space<vmem>>
          tpu.wait_dma2 semaphore(%run_scoped3A_353 : memref<!tpu.dma_semaphore, #tpu.memory_space<semaphore_mem>>) src(%arg10 : memref<200x128xf32, #tpu.memory_space<vmem_shared>>) dst(%dma_wait3A_369 : memref<200x128xf32, #tpu.memory_space<vmem>>)
          tpu.yield
        }) : () -> ()
        %dma_start3A_331 = arith.constant 2 : i32
        %dma_start3A_332 = arith.constant 0 : i32
        %dma_start3A_333 = arith.constant 0 : i32
        %dma_start3A_334 = tpu.memref_slice %arg8[%dma_start3A_331, %dma_start3A_332, %dma_start3A_333] : memref<4x200x128xf32, #tpu.memory_space<vmem>> -> memref<1x128x128xf32, #tpu.memory_space<vmem>>
        %dma_start3A_335 = tpu.memref_squeeze %dma_start3A_334 : memref<1x128x128xf32, #tpu.memory_space<vmem>> -> memref<128x128xf32, #tpu.memory_space<vmem>>
        %dma_start3A_336 = arith.constant 0 : i32
        %dma_start3A_337 = tpu.memref_slice %arg7[%add3A_168, %dma_start3A_336] : memref<32x200xi32, #tpu.memory_space<vmem>> -> memref<1x128xi32, #tpu.memory_space<vmem>>
        %dma_start3A_338 = tpu.memref_squeeze %dma_start3A_337 : memref<1x128xi32, #tpu.memory_space<vmem>> -> memref<128xi32, #tpu.memory_space<vmem>>
        %dma_start3A_339 = arith.constant 0 : i32
        %dma_start3A_340 = arith.constant 0 : i32
        %dma_start3A_341 = tpu.memref_slice %arg3[%dma_start3A_339, %dma_start3A_340] : memref<100000x128xf32, #tpu.memory_space<hbm>> -> memref<100000x128xf32, #tpu.memory_space<hbm>>
        tpu.enqueue_indirect_dma source(%dma_start3A_341 : memref<100000x128xf32, #tpu.memory_space<hbm>>) target(%dma_start3A_335 : memref<128x128xf32, #tpu.memory_space<vmem>>) offsets(%dma_start3A_338 : memref<128xi32, #tpu.memory_space<vmem>>) semaphore(%arg13 : memref<!tpu.dma_semaphore, #tpu.memory_space<semaphore_mem>>) {add = true}
        %dma_start3A_342 = arith.constant 2 : i32
        %dma_start3A_343 = arith.constant 128 : i32
        %dma_start3A_344 = arith.constant 0 : i32
        %dma_start3A_345 = tpu.memref_slice %arg8[%dma_start3A_342, %dma_start3A_343, %dma_start3A_344] : memref<4x200x128xf32, #tpu.memory_space<vmem>> -> memref<1x72x128xf32, #tpu.memory_space<vmem>>
        %dma_start3A_346 = tpu.memref_squeeze %dma_start3A_345 : memref<1x72x128xf32, #tpu.memory_space<vmem>> -> memref<72x128xf32, #tpu.memory_space<vmem>>
        %dma_start3A_347 = arith.constant 128 : i32
        %dma_start3A_348 = tpu.memref_slice %arg7[%add3A_168, %dma_start3A_347] : memref<32x200xi32, #tpu.memory_space<vmem>> -> memref<1x72xi32, #tpu.memory_space<vmem>>
        %dma_start3A_349 = tpu.memref_squeeze %dma_start3A_348 : memref<1x72xi32, #tpu.memory_space<vmem>> -> memref<72xi32, #tpu.memory_space<vmem>>
        %dma_start3A_350 = arith.constant 0 : i32
        %dma_start3A_351 = arith.constant 0 : i32
        %dma_start3A_352 = tpu.memref_slice %arg3[%dma_start3A_350, %dma_start3A_351] : memref<100000x128xf32, #tpu.memory_space<hbm>> -> memref<100000x128xf32, #tpu.memory_space<hbm>>
        tpu.enqueue_indirect_dma source(%dma_start3A_352 : memref<100000x128xf32, #tpu.memory_space<hbm>>) target(%dma_start3A_346 : memref<72x128xf32, #tpu.memory_space<vmem>>) offsets(%dma_start3A_349 : memref<72xi32, #tpu.memory_space<vmem>>) semaphore(%arg13 : memref<!tpu.dma_semaphore, #tpu.memory_space<semaphore_mem>>) {add = true}
      } else {
      }
      %mul3A_173 = arith.constant 4 : i32
      %mul3A_174 = arith.muli %add3A_122, %mul3A_173 : i32
      %add3A_175 = arith.constant 1 : i32
      %add3A_176 = arith.addi %mul3A_174, %add3A_175 : i32
      %dma_wait3A_177 = arith.constant 0 : i32
      %dma_wait3A_178 = arith.constant 1 : i32
      %dma_wait3A_179 = arith.constant 0 : i32
      %dma_wait3A_180 = arith.constant 0 : i32
      %dma_wait3A_181 = tpu.memref_slice %arg8[%dma_wait3A_178, %dma_wait3A_179, %dma_wait3A_180] : memref<4x200x128xf32, #tpu.memory_space<vmem>> -> memref<1x128x128xf32, #tpu.memory_space<vmem>>
      %dma_wait3A_182 = tpu.memref_squeeze %dma_wait3A_181 : memref<1x128x128xf32, #tpu.memory_space<vmem>> -> memref<128x128xf32, #tpu.memory_space<vmem>>
      %dma_wait3A_183 = arith.constant 0 : i32
      %dma_wait3A_184 = tpu.memref_slice %arg7[%dma_wait3A_177, %dma_wait3A_183] : memref<32x200xi32, #tpu.memory_space<vmem>> -> memref<1x128xi32, #tpu.memory_space<vmem>>
      %dma_wait3A_185 = tpu.memref_squeeze %dma_wait3A_184 : memref<1x128xi32, #tpu.memory_space<vmem>> -> memref<128xi32, #tpu.memory_space<vmem>>
      %dma_wait3A_186 = arith.constant 0 : i32
      %dma_wait3A_187 = arith.constant 0 : i32
      %dma_wait3A_188 = tpu.memref_slice %arg3[%dma_wait3A_186, %dma_wait3A_187] : memref<100000x128xf32, #tpu.memory_space<hbm>> -> memref<100000x128xf32, #tpu.memory_space<hbm>>
      tpu.wait_indirect_dma semaphore(%arg12 : memref<!tpu.dma_semaphore, #tpu.memory_space<semaphore_mem>>) src(%dma_wait3A_188 : memref<100000x128xf32, #tpu.memory_space<hbm>>) dst(%dma_wait3A_182 : memref<128x128xf32, #tpu.memory_space<vmem>>)
      %dma_wait3A_189 = arith.constant 0 : i32
      %dma_wait3A_190 = arith.constant 1 : i32
      %dma_wait3A_191 = arith.constant 128 : i32
      %dma_wait3A_192 = arith.constant 0 : i32
      %dma_wait3A_193 = tpu.memref_slice %arg8[%dma_wait3A_190, %dma_wait3A_191, %dma_wait3A_192] : memref<4x200x128xf32, #tpu.memory_space<vmem>> -> memref<1x72x128xf32, #tpu.memory_space<vmem>>
      %dma_wait3A_194 = tpu.memref_squeeze %dma_wait3A_193 : memref<1x72x128xf32, #tpu.memory_space<vmem>> -> memref<72x128xf32, #tpu.memory_space<vmem>>
      %dma_wait3A_195 = arith.constant 128 : i32
      %dma_wait3A_196 = tpu.memref_slice %arg7[%dma_wait3A_189, %dma_wait3A_195] : memref<32x200xi32, #tpu.memory_space<vmem>> -> memref<1x72xi32, #tpu.memory_space<vmem>>
      %dma_wait3A_197 = tpu.memref_squeeze %dma_wait3A_196 : memref<1x72xi32, #tpu.memory_space<vmem>> -> memref<72xi32, #tpu.memory_space<vmem>>
      %dma_wait3A_198 = arith.constant 0 : i32
      %dma_wait3A_199 = arith.constant 0 : i32
      %dma_wait3A_200 = tpu.memref_slice %arg3[%dma_wait3A_198, %dma_wait3A_199] : memref<100000x128xf32, #tpu.memory_space<hbm>> -> memref<100000x128xf32, #tpu.memory_space<hbm>>
      tpu.wait_indirect_dma semaphore(%arg12 : memref<!tpu.dma_semaphore, #tpu.memory_space<semaphore_mem>>) src(%dma_wait3A_200 : memref<100000x128xf32, #tpu.memory_space<hbm>>) dst(%dma_wait3A_194 : memref<72x128xf32, #tpu.memory_space<vmem>>)
      %mul3A_201 = arith.constant 200 : i32
      %mul3A_202 = arith.muli %add3A_176, %mul3A_201 : i32
      %add3A_203 = arith.addi %mul3A_2, %mul3A_202 : i32
      %dma_start3A_204 = arith.constant 1 : i32
      %dma_start3A_205 = arith.constant 0 : i32
      %dma_start3A_206 = arith.constant 0 : i32
      %dma_start3A_207 = tpu.memref_slice %arg8[%dma_start3A_204, %dma_start3A_205, %dma_start3A_206] : memref<4x200x128xf32, #tpu.memory_space<vmem>> -> memref<1x200x128xf32, #tpu.memory_space<vmem>>
      %dma_start3A_208 = tpu.memref_squeeze %dma_start3A_207 : memref<1x200x128xf32, #tpu.memory_space<vmem>> -> memref<200x128xf32, #tpu.memory_space<vmem>>
      %dma_start3A_209 = arith.constant 0 : i32
      %dma_start3A_210 = tpu.memref_slice %arg6[%add3A_203, %dma_start3A_209] : memref<204800x128xf32, #tpu.memory_space<hbm>> -> memref<200x128xf32, #tpu.memory_space<hbm>>
      %dma_start3A_211 = arith.constant 0 : i32
      %dma_start3A_212 = tpu.memref_slice %arg6[%add3A_203, %dma_start3A_211] : memref<204800x128xf32, #tpu.memory_space<hbm>> -> memref<200x128xf32, #tpu.memory_space<hbm>>
      %dma_start3A_213 = arith.constant 0 : i32
      %dma_start3A_214 = arith.constant 0 : i32
      %dma_start3A_215 = tpu.memref_slice %arg8[%dma_start3A_204, %dma_start3A_213, %dma_start3A_214] : memref<4x200x128xf32, #tpu.memory_space<vmem>> -> memref<1x200x128xf32, #tpu.memory_space<vmem>>
      %dma_start3A_216 = tpu.memref_squeeze %dma_start3A_215 : memref<1x200x128xf32, #tpu.memory_space<vmem>> -> memref<200x128xf32, #tpu.memory_space<vmem>>
      tpu.enqueue_dma source(%dma_start3A_216 : memref<200x128xf32, #tpu.memory_space<vmem>>) target(%dma_start3A_212 : memref<200x128xf32, #tpu.memory_space<hbm>>) target_semaphore(%arg16 : memref<!tpu.dma_semaphore, #tpu.memory_space<semaphore_mem>>)
      %add3A_217 = arith.constant 2 : i32
      %add3A_218 = arith.addi %add3A_176, %add3A_217 : i32
      %lt3A_219 = arith.constant 32 : i32
      %lt3A_220 = arith.cmpi slt, %add3A_218, %lt3A_219 : i32
      %convert_element_type3A_221 = arith.extui %lt3A_220 : i1 to i32
      %cond3A_222 = arith.constant 0 : i32
      %cond3A_223 = arith.cmpi ne, %convert_element_type3A_221, %cond3A_222 : i32
      scf.if %cond3A_223 {
        %ge3A = arith.constant 4 : i32
        %ge3A_326 = arith.cmpi sge, %add3A_218, %ge3A : i32
        %convert_element_type3A_327 = arith.extui %ge3A_326 : i1 to i32
        %cond3A_328 = arith.constant 0 : i32
        %cond3A_329 = arith.cmpi ne, %convert_element_type3A_327, %cond3A_328 : i32
        scf.if %cond3A_329 {
          %dma_wait3A_353 = arith.constant 3 : i32
          %dma_wait3A_354 = arith.constant 0 : i32
          %dma_wait3A_355 = arith.constant 0 : i32
          %dma_wait3A_356 = tpu.memref_slice %arg8[%dma_wait3A_353, %dma_wait3A_354, %dma_wait3A_355] : memref<4x200x128xf32, #tpu.memory_space<vmem>> -> memref<1x200x128xf32, #tpu.memory_space<vmem>>
          %dma_wait3A_357 = tpu.memref_squeeze %dma_wait3A_356 : memref<1x200x128xf32, #tpu.memory_space<vmem>> -> memref<200x128xf32, #tpu.memory_space<vmem>>
          %dma_wait3A_358 = arith.constant 0 : i32
          %dma_wait3A_359 = arith.constant 0 : i32
          %dma_wait3A_360 = tpu.memref_slice %arg6[%dma_wait3A_358, %dma_wait3A_359] : memref<204800x128xf32, #tpu.memory_space<hbm>> -> memref<200x128xf32, #tpu.memory_space<hbm>>
          %dma_wait3A_361 = arith.constant 0 : i32
          %dma_wait3A_362 = arith.constant 0 : i32
          %dma_wait3A_363 = tpu.memref_slice %arg6[%dma_wait3A_361, %dma_wait3A_362] : memref<204800x128xf32, #tpu.memory_space<hbm>> -> memref<200x128xf32, #tpu.memory_space<hbm>>
          %dma_wait3A_364 = arith.constant 0 : i32
          %dma_wait3A_365 = arith.constant 0 : i32
          %dma_wait3A_366 = tpu.memref_slice %arg8[%dma_wait3A_353, %dma_wait3A_364, %dma_wait3A_365] : memref<4x200x128xf32, #tpu.memory_space<vmem>> -> memref<1x200x128xf32, #tpu.memory_space<vmem>>
          %dma_wait3A_367 = tpu.memref_squeeze %dma_wait3A_366 : memref<1x200x128xf32, #tpu.memory_space<vmem>> -> memref<200x128xf32, #tpu.memory_space<vmem>>
          tpu.wait_dma2 semaphore(%arg18 : memref<!tpu.dma_semaphore, #tpu.memory_space<semaphore_mem>>) src(%dma_wait3A_367 : memref<200x128xf32, #tpu.memory_space<vmem>>) dst(%dma_wait3A_363 : memref<200x128xf32, #tpu.memory_space<hbm>>)
        } else {
        }
        %run_scoped3A_330 = arith.constant 3 : i32
        "tpu.region"() ({
          %run_scoped3A_353 = tpu.sem_alloc : memref<!tpu.dma_semaphore, #tpu.memory_space<semaphore_mem>>
          %dma_start3A_354 = arith.constant 0 : i32
          %dma_start3A_355 = arith.constant 0 : i32
          %dma_start3A_356 = tpu.memref_slice %arg8[%run_scoped3A_330, %dma_start3A_354, %dma_start3A_355] : memref<4x200x128xf32, #tpu.memory_space<vmem>> -> memref<1x200x128xf32, #tpu.memory_space<vmem>>
          %dma_start3A_357 = tpu.memref_squeeze %dma_start3A_356 : memref<1x200x128xf32, #tpu.memory_space<vmem>> -> memref<200x128xf32, #tpu.memory_space<vmem>>
          %dma_start3A_358 = arith.constant 0 : i32
          %dma_start3A_359 = arith.constant 0 : i32
          %dma_start3A_360 = tpu.memref_slice %arg8[%run_scoped3A_330, %dma_start3A_358, %dma_start3A_359] : memref<4x200x128xf32, #tpu.memory_space<vmem>> -> memref<1x200x128xf32, #tpu.memory_space<vmem>>
          %dma_start3A_361 = tpu.memref_squeeze %dma_start3A_360 : memref<1x200x128xf32, #tpu.memory_space<vmem>> -> memref<200x128xf32, #tpu.memory_space<vmem>>
          tpu.enqueue_dma source(%arg10 : memref<200x128xf32, #tpu.memory_space<vmem_shared>>) target(%dma_start3A_361 : memref<200x128xf32, #tpu.memory_space<vmem>>) target_semaphore(%run_scoped3A_353 : memref<!tpu.dma_semaphore, #tpu.memory_space<semaphore_mem>>)
          %dma_wait3A_362 = arith.constant 0 : i32
          %dma_wait3A_363 = arith.constant 0 : i32
          %dma_wait3A_364 = tpu.memref_slice %arg8[%run_scoped3A_330, %dma_wait3A_362, %dma_wait3A_363] : memref<4x200x128xf32, #tpu.memory_space<vmem>> -> memref<1x200x128xf32, #tpu.memory_space<vmem>>
          %dma_wait3A_365 = tpu.memref_squeeze %dma_wait3A_364 : memref<1x200x128xf32, #tpu.memory_space<vmem>> -> memref<200x128xf32, #tpu.memory_space<vmem>>
          %dma_wait3A_366 = arith.constant 0 : i32
          %dma_wait3A_367 = arith.constant 0 : i32
          %dma_wait3A_368 = tpu.memref_slice %arg8[%run_scoped3A_330, %dma_wait3A_366, %dma_wait3A_367] : memref<4x200x128xf32, #tpu.memory_space<vmem>> -> memref<1x200x128xf32, #tpu.memory_space<vmem>>
          %dma_wait3A_369 = tpu.memref_squeeze %dma_wait3A_368 : memref<1x200x128xf32, #tpu.memory_space<vmem>> -> memref<200x128xf32, #tpu.memory_space<vmem>>
          tpu.wait_dma2 semaphore(%run_scoped3A_353 : memref<!tpu.dma_semaphore, #tpu.memory_space<semaphore_mem>>) src(%arg10 : memref<200x128xf32, #tpu.memory_space<vmem_shared>>) dst(%dma_wait3A_369 : memref<200x128xf32, #tpu.memory_space<vmem>>)
          tpu.yield
        }) : () -> ()
        %dma_start3A_331 = arith.constant 3 : i32
        %dma_start3A_332 = arith.constant 0 : i32
        %dma_start3A_333 = arith.constant 0 : i32
        %dma_start3A_334 = tpu.memref_slice %arg8[%dma_start3A_331, %dma_start3A_332, %dma_start3A_333] : memref<4x200x128xf32, #tpu.memory_space<vmem>> -> memref<1x128x128xf32, #tpu.memory_space<vmem>>
        %dma_start3A_335 = tpu.memref_squeeze %dma_start3A_334 : memref<1x128x128xf32, #tpu.memory_space<vmem>> -> memref<128x128xf32, #tpu.memory_space<vmem>>
        %dma_start3A_336 = arith.constant 0 : i32
        %dma_start3A_337 = tpu.memref_slice %arg7[%add3A_218, %dma_start3A_336] : memref<32x200xi32, #tpu.memory_space<vmem>> -> memref<1x128xi32, #tpu.memory_space<vmem>>
        %dma_start3A_338 = tpu.memref_squeeze %dma_start3A_337 : memref<1x128xi32, #tpu.memory_space<vmem>> -> memref<128xi32, #tpu.memory_space<vmem>>
        %dma_start3A_339 = arith.constant 0 : i32
        %dma_start3A_340 = arith.constant 0 : i32
        %dma_start3A_341 = tpu.memref_slice %arg3[%dma_start3A_339, %dma_start3A_340] : memref<100000x128xf32, #tpu.memory_space<hbm>> -> memref<100000x128xf32, #tpu.memory_space<hbm>>
        tpu.enqueue_indirect_dma source(%dma_start3A_341 : memref<100000x128xf32, #tpu.memory_space<hbm>>) target(%dma_start3A_335 : memref<128x128xf32, #tpu.memory_space<vmem>>) offsets(%dma_start3A_338 : memref<128xi32, #tpu.memory_space<vmem>>) semaphore(%arg14 : memref<!tpu.dma_semaphore, #tpu.memory_space<semaphore_mem>>) {add = true}
        %dma_start3A_342 = arith.constant 3 : i32
        %dma_start3A_343 = arith.constant 128 : i32
        %dma_start3A_344 = arith.constant 0 : i32
        %dma_start3A_345 = tpu.memref_slice %arg8[%dma_start3A_342, %dma_start3A_343, %dma_start3A_344] : memref<4x200x128xf32, #tpu.memory_space<vmem>> -> memref<1x72x128xf32, #tpu.memory_space<vmem>>
        %dma_start3A_346 = tpu.memref_squeeze %dma_start3A_345 : memref<1x72x128xf32, #tpu.memory_space<vmem>> -> memref<72x128xf32, #tpu.memory_space<vmem>>
        %dma_start3A_347 = arith.constant 128 : i32
        %dma_start3A_348 = tpu.memref_slice %arg7[%add3A_218, %dma_start3A_347] : memref<32x200xi32, #tpu.memory_space<vmem>> -> memref<1x72xi32, #tpu.memory_space<vmem>>
        %dma_start3A_349 = tpu.memref_squeeze %dma_start3A_348 : memref<1x72xi32, #tpu.memory_space<vmem>> -> memref<72xi32, #tpu.memory_space<vmem>>
        %dma_start3A_350 = arith.constant 0 : i32
        %dma_start3A_351 = arith.constant 0 : i32
        %dma_start3A_352 = tpu.memref_slice %arg3[%dma_start3A_350, %dma_start3A_351] : memref<100000x128xf32, #tpu.memory_space<hbm>> -> memref<100000x128xf32, #tpu.memory_space<hbm>>
        tpu.enqueue_indirect_dma source(%dma_start3A_352 : memref<100000x128xf32, #tpu.memory_space<hbm>>) target(%dma_start3A_346 : memref<72x128xf32, #tpu.memory_space<vmem>>) offsets(%dma_start3A_349 : memref<72xi32, #tpu.memory_space<vmem>>) semaphore(%arg14 : memref<!tpu.dma_semaphore, #tpu.memory_space<semaphore_mem>>) {add = true}
      } else {
      }
      %mul3A_224 = arith.constant 4 : i32
      %mul3A_225 = arith.muli %add3A_122, %mul3A_224 : i32
      %add3A_226 = arith.constant 2 : i32
      %add3A_227 = arith.addi %mul3A_225, %add3A_226 : i32
      %dma_wait3A_228 = arith.constant 0 : i32
      %dma_wait3A_229 = arith.constant 2 : i32
      %dma_wait3A_230 = arith.constant 0 : i32
      %dma_wait3A_231 = arith.constant 0 : i32
      %dma_wait3A_232 = tpu.memref_slice %arg8[%dma_wait3A_229, %dma_wait3A_230, %dma_wait3A_231] : memref<4x200x128xf32, #tpu.memory_space<vmem>> -> memref<1x128x128xf32, #tpu.memory_space<vmem>>
      %dma_wait3A_233 = tpu.memref_squeeze %dma_wait3A_232 : memref<1x128x128xf32, #tpu.memory_space<vmem>> -> memref<128x128xf32, #tpu.memory_space<vmem>>
      %dma_wait3A_234 = arith.constant 0 : i32
      %dma_wait3A_235 = tpu.memref_slice %arg7[%dma_wait3A_228, %dma_wait3A_234] : memref<32x200xi32, #tpu.memory_space<vmem>> -> memref<1x128xi32, #tpu.memory_space<vmem>>
      %dma_wait3A_236 = tpu.memref_squeeze %dma_wait3A_235 : memref<1x128xi32, #tpu.memory_space<vmem>> -> memref<128xi32, #tpu.memory_space<vmem>>
      %dma_wait3A_237 = arith.constant 0 : i32
      %dma_wait3A_238 = arith.constant 0 : i32
      %dma_wait3A_239 = tpu.memref_slice %arg3[%dma_wait3A_237, %dma_wait3A_238] : memref<100000x128xf32, #tpu.memory_space<hbm>> -> memref<100000x128xf32, #tpu.memory_space<hbm>>
      tpu.wait_indirect_dma semaphore(%arg13 : memref<!tpu.dma_semaphore, #tpu.memory_space<semaphore_mem>>) src(%dma_wait3A_239 : memref<100000x128xf32, #tpu.memory_space<hbm>>) dst(%dma_wait3A_233 : memref<128x128xf32, #tpu.memory_space<vmem>>)
      %dma_wait3A_240 = arith.constant 0 : i32
      %dma_wait3A_241 = arith.constant 2 : i32
      %dma_wait3A_242 = arith.constant 128 : i32
      %dma_wait3A_243 = arith.constant 0 : i32
      %dma_wait3A_244 = tpu.memref_slice %arg8[%dma_wait3A_241, %dma_wait3A_242, %dma_wait3A_243] : memref<4x200x128xf32, #tpu.memory_space<vmem>> -> memref<1x72x128xf32, #tpu.memory_space<vmem>>
      %dma_wait3A_245 = tpu.memref_squeeze %dma_wait3A_244 : memref<1x72x128xf32, #tpu.memory_space<vmem>> -> memref<72x128xf32, #tpu.memory_space<vmem>>
      %dma_wait3A_246 = arith.constant 128 : i32
      %dma_wait3A_247 = tpu.memref_slice %arg7[%dma_wait3A_240, %dma_wait3A_246] : memref<32x200xi32, #tpu.memory_space<vmem>> -> memref<1x72xi32, #tpu.memory_space<vmem>>
      %dma_wait3A_248 = tpu.memref_squeeze %dma_wait3A_247 : memref<1x72xi32, #tpu.memory_space<vmem>> -> memref<72xi32, #tpu.memory_space<vmem>>
      %dma_wait3A_249 = arith.constant 0 : i32
      %dma_wait3A_250 = arith.constant 0 : i32
      %dma_wait3A_251 = tpu.memref_slice %arg3[%dma_wait3A_249, %dma_wait3A_250] : memref<100000x128xf32, #tpu.memory_space<hbm>> -> memref<100000x128xf32, #tpu.memory_space<hbm>>
      tpu.wait_indirect_dma semaphore(%arg13 : memref<!tpu.dma_semaphore, #tpu.memory_space<semaphore_mem>>) src(%dma_wait3A_251 : memref<100000x128xf32, #tpu.memory_space<hbm>>) dst(%dma_wait3A_245 : memref<72x128xf32, #tpu.memory_space<vmem>>)
      %mul3A_252 = arith.constant 200 : i32
      %mul3A_253 = arith.muli %add3A_227, %mul3A_252 : i32
      %add3A_254 = arith.addi %mul3A_2, %mul3A_253 : i32
      %dma_start3A_255 = arith.constant 2 : i32
      %dma_start3A_256 = arith.constant 0 : i32
      %dma_start3A_257 = arith.constant 0 : i32
      %dma_start3A_258 = tpu.memref_slice %arg8[%dma_start3A_255, %dma_start3A_256, %dma_start3A_257] : memref<4x200x128xf32, #tpu.memory_space<vmem>> -> memref<1x200x128xf32, #tpu.memory_space<vmem>>
      %dma_start3A_259 = tpu.memref_squeeze %dma_start3A_258 : memref<1x200x128xf32, #tpu.memory_space<vmem>> -> memref<200x128xf32, #tpu.memory_space<vmem>>
      %dma_start3A_260 = arith.constant 0 : i32
      %dma_start3A_261 = tpu.memref_slice %arg6[%add3A_254, %dma_start3A_260] : memref<204800x128xf32, #tpu.memory_space<hbm>> -> memref<200x128xf32, #tpu.memory_space<hbm>>
      %dma_start3A_262 = arith.constant 0 : i32
      %dma_start3A_263 = tpu.memref_slice %arg6[%add3A_254, %dma_start3A_262] : memref<204800x128xf32, #tpu.memory_space<hbm>> -> memref<200x128xf32, #tpu.memory_space<hbm>>
      %dma_start3A_264 = arith.constant 0 : i32
      %dma_start3A_265 = arith.constant 0 : i32
      %dma_start3A_266 = tpu.memref_slice %arg8[%dma_start3A_255, %dma_start3A_264, %dma_start3A_265] : memref<4x200x128xf32, #tpu.memory_space<vmem>> -> memref<1x200x128xf32, #tpu.memory_space<vmem>>
      %dma_start3A_267 = tpu.memref_squeeze %dma_start3A_266 : memref<1x200x128xf32, #tpu.memory_space<vmem>> -> memref<200x128xf32, #tpu.memory_space<vmem>>
      tpu.enqueue_dma source(%dma_start3A_267 : memref<200x128xf32, #tpu.memory_space<vmem>>) target(%dma_start3A_263 : memref<200x128xf32, #tpu.memory_space<hbm>>) target_semaphore(%arg17 : memref<!tpu.dma_semaphore, #tpu.memory_space<semaphore_mem>>)
      %add3A_268 = arith.constant 2 : i32
      %add3A_269 = arith.addi %add3A_227, %add3A_268 : i32
      %lt3A_270 = arith.constant 32 : i32
      %lt3A_271 = arith.cmpi slt, %add3A_269, %lt3A_270 : i32
      %convert_element_type3A_272 = arith.extui %lt3A_271 : i1 to i32
      %cond3A_273 = arith.constant 0 : i32
      %cond3A_274 = arith.cmpi ne, %convert_element_type3A_272, %cond3A_273 : i32
      scf.if %cond3A_274 {
        %ge3A = arith.constant 4 : i32
        %ge3A_326 = arith.cmpi sge, %add3A_269, %ge3A : i32
        %convert_element_type3A_327 = arith.extui %ge3A_326 : i1 to i32
        %cond3A_328 = arith.constant 0 : i32
        %cond3A_329 = arith.cmpi ne, %convert_element_type3A_327, %cond3A_328 : i32
        scf.if %cond3A_329 {
          %dma_wait3A_353 = arith.constant 0 : i32
          %dma_wait3A_354 = arith.constant 0 : i32
          %dma_wait3A_355 = arith.constant 0 : i32
          %dma_wait3A_356 = tpu.memref_slice %arg8[%dma_wait3A_353, %dma_wait3A_354, %dma_wait3A_355] : memref<4x200x128xf32, #tpu.memory_space<vmem>> -> memref<1x200x128xf32, #tpu.memory_space<vmem>>
          %dma_wait3A_357 = tpu.memref_squeeze %dma_wait3A_356 : memref<1x200x128xf32, #tpu.memory_space<vmem>> -> memref<200x128xf32, #tpu.memory_space<vmem>>
          %dma_wait3A_358 = arith.constant 0 : i32
          %dma_wait3A_359 = arith.constant 0 : i32
          %dma_wait3A_360 = tpu.memref_slice %arg6[%dma_wait3A_358, %dma_wait3A_359] : memref<204800x128xf32, #tpu.memory_space<hbm>> -> memref<200x128xf32, #tpu.memory_space<hbm>>
          %dma_wait3A_361 = arith.constant 0 : i32
          %dma_wait3A_362 = arith.constant 0 : i32
          %dma_wait3A_363 = tpu.memref_slice %arg6[%dma_wait3A_361, %dma_wait3A_362] : memref<204800x128xf32, #tpu.memory_space<hbm>> -> memref<200x128xf32, #tpu.memory_space<hbm>>
          %dma_wait3A_364 = arith.constant 0 : i32
          %dma_wait3A_365 = arith.constant 0 : i32
          %dma_wait3A_366 = tpu.memref_slice %arg8[%dma_wait3A_353, %dma_wait3A_364, %dma_wait3A_365] : memref<4x200x128xf32, #tpu.memory_space<vmem>> -> memref<1x200x128xf32, #tpu.memory_space<vmem>>
          %dma_wait3A_367 = tpu.memref_squeeze %dma_wait3A_366 : memref<1x200x128xf32, #tpu.memory_space<vmem>> -> memref<200x128xf32, #tpu.memory_space<vmem>>
          tpu.wait_dma2 semaphore(%arg15 : memref<!tpu.dma_semaphore, #tpu.memory_space<semaphore_mem>>) src(%dma_wait3A_367 : memref<200x128xf32, #tpu.memory_space<vmem>>) dst(%dma_wait3A_363 : memref<200x128xf32, #tpu.memory_space<hbm>>)
        } else {
        }
        %run_scoped3A_330 = arith.constant 0 : i32
        "tpu.region"() ({
          %run_scoped3A_353 = tpu.sem_alloc : memref<!tpu.dma_semaphore, #tpu.memory_space<semaphore_mem>>
          %dma_start3A_354 = arith.constant 0 : i32
          %dma_start3A_355 = arith.constant 0 : i32
          %dma_start3A_356 = tpu.memref_slice %arg8[%run_scoped3A_330, %dma_start3A_354, %dma_start3A_355] : memref<4x200x128xf32, #tpu.memory_space<vmem>> -> memref<1x200x128xf32, #tpu.memory_space<vmem>>
          %dma_start3A_357 = tpu.memref_squeeze %dma_start3A_356 : memref<1x200x128xf32, #tpu.memory_space<vmem>> -> memref<200x128xf32, #tpu.memory_space<vmem>>
          %dma_start3A_358 = arith.constant 0 : i32
          %dma_start3A_359 = arith.constant 0 : i32
          %dma_start3A_360 = tpu.memref_slice %arg8[%run_scoped3A_330, %dma_start3A_358, %dma_start3A_359] : memref<4x200x128xf32, #tpu.memory_space<vmem>> -> memref<1x200x128xf32, #tpu.memory_space<vmem>>
          %dma_start3A_361 = tpu.memref_squeeze %dma_start3A_360 : memref<1x200x128xf32, #tpu.memory_space<vmem>> -> memref<200x128xf32, #tpu.memory_space<vmem>>
          tpu.enqueue_dma source(%arg10 : memref<200x128xf32, #tpu.memory_space<vmem_shared>>) target(%dma_start3A_361 : memref<200x128xf32, #tpu.memory_space<vmem>>) target_semaphore(%run_scoped3A_353 : memref<!tpu.dma_semaphore, #tpu.memory_space<semaphore_mem>>)
          %dma_wait3A_362 = arith.constant 0 : i32
          %dma_wait3A_363 = arith.constant 0 : i32
          %dma_wait3A_364 = tpu.memref_slice %arg8[%run_scoped3A_330, %dma_wait3A_362, %dma_wait3A_363] : memref<4x200x128xf32, #tpu.memory_space<vmem>> -> memref<1x200x128xf32, #tpu.memory_space<vmem>>
          %dma_wait3A_365 = tpu.memref_squeeze %dma_wait3A_364 : memref<1x200x128xf32, #tpu.memory_space<vmem>> -> memref<200x128xf32, #tpu.memory_space<vmem>>
          %dma_wait3A_366 = arith.constant 0 : i32
          %dma_wait3A_367 = arith.constant 0 : i32
          %dma_wait3A_368 = tpu.memref_slice %arg8[%run_scoped3A_330, %dma_wait3A_366, %dma_wait3A_367] : memref<4x200x128xf32, #tpu.memory_space<vmem>> -> memref<1x200x128xf32, #tpu.memory_space<vmem>>
          %dma_wait3A_369 = tpu.memref_squeeze %dma_wait3A_368 : memref<1x200x128xf32, #tpu.memory_space<vmem>> -> memref<200x128xf32, #tpu.memory_space<vmem>>
          tpu.wait_dma2 semaphore(%run_scoped3A_353 : memref<!tpu.dma_semaphore, #tpu.memory_space<semaphore_mem>>) src(%arg10 : memref<200x128xf32, #tpu.memory_space<vmem_shared>>) dst(%dma_wait3A_369 : memref<200x128xf32, #tpu.memory_space<vmem>>)
          tpu.yield
        }) : () -> ()
        %dma_start3A_331 = arith.constant 0 : i32
        %dma_start3A_332 = arith.constant 0 : i32
        %dma_start3A_333 = arith.constant 0 : i32
        %dma_start3A_334 = tpu.memref_slice %arg8[%dma_start3A_331, %dma_start3A_332, %dma_start3A_333] : memref<4x200x128xf32, #tpu.memory_space<vmem>> -> memref<1x128x128xf32, #tpu.memory_space<vmem>>
        %dma_start3A_335 = tpu.memref_squeeze %dma_start3A_334 : memref<1x128x128xf32, #tpu.memory_space<vmem>> -> memref<128x128xf32, #tpu.memory_space<vmem>>
        %dma_start3A_336 = arith.constant 0 : i32
        %dma_start3A_337 = tpu.memref_slice %arg7[%add3A_269, %dma_start3A_336] : memref<32x200xi32, #tpu.memory_space<vmem>> -> memref<1x128xi32, #tpu.memory_space<vmem>>
        %dma_start3A_338 = tpu.memref_squeeze %dma_start3A_337 : memref<1x128xi32, #tpu.memory_space<vmem>> -> memref<128xi32, #tpu.memory_space<vmem>>
        %dma_start3A_339 = arith.constant 0 : i32
        %dma_start3A_340 = arith.constant 0 : i32
        %dma_start3A_341 = tpu.memref_slice %arg3[%dma_start3A_339, %dma_start3A_340] : memref<100000x128xf32, #tpu.memory_space<hbm>> -> memref<100000x128xf32, #tpu.memory_space<hbm>>
        tpu.enqueue_indirect_dma source(%dma_start3A_341 : memref<100000x128xf32, #tpu.memory_space<hbm>>) target(%dma_start3A_335 : memref<128x128xf32, #tpu.memory_space<vmem>>) offsets(%dma_start3A_338 : memref<128xi32, #tpu.memory_space<vmem>>) semaphore(%arg11 : memref<!tpu.dma_semaphore, #tpu.memory_space<semaphore_mem>>) {add = true}
        %dma_start3A_342 = arith.constant 0 : i32
        %dma_start3A_343 = arith.constant 128 : i32
        %dma_start3A_344 = arith.constant 0 : i32
        %dma_start3A_345 = tpu.memref_slice %arg8[%dma_start3A_342, %dma_start3A_343, %dma_start3A_344] : memref<4x200x128xf32, #tpu.memory_space<vmem>> -> memref<1x72x128xf32, #tpu.memory_space<vmem>>
        %dma_start3A_346 = tpu.memref_squeeze %dma_start3A_345 : memref<1x72x128xf32, #tpu.memory_space<vmem>> -> memref<72x128xf32, #tpu.memory_space<vmem>>
        %dma_start3A_347 = arith.constant 128 : i32
        %dma_start3A_348 = tpu.memref_slice %arg7[%add3A_269, %dma_start3A_347] : memref<32x200xi32, #tpu.memory_space<vmem>> -> memref<1x72xi32, #tpu.memory_space<vmem>>
        %dma_start3A_349 = tpu.memref_squeeze %dma_start3A_348 : memref<1x72xi32, #tpu.memory_space<vmem>> -> memref<72xi32, #tpu.memory_space<vmem>>
        %dma_start3A_350 = arith.constant 0 : i32
        %dma_start3A_351 = arith.constant 0 : i32
        %dma_start3A_352 = tpu.memref_slice %arg3[%dma_start3A_350, %dma_start3A_351] : memref<100000x128xf32, #tpu.memory_space<hbm>> -> memref<100000x128xf32, #tpu.memory_space<hbm>>
        tpu.enqueue_indirect_dma source(%dma_start3A_352 : memref<100000x128xf32, #tpu.memory_space<hbm>>) target(%dma_start3A_346 : memref<72x128xf32, #tpu.memory_space<vmem>>) offsets(%dma_start3A_349 : memref<72xi32, #tpu.memory_space<vmem>>) semaphore(%arg11 : memref<!tpu.dma_semaphore, #tpu.memory_space<semaphore_mem>>) {add = true}
      } else {
      }
      %mul3A_275 = arith.constant 4 : i32
      %mul3A_276 = arith.muli %add3A_122, %mul3A_275 : i32
      %add3A_277 = arith.constant 3 : i32
      %add3A_278 = arith.addi %mul3A_276, %add3A_277 : i32
      %dma_wait3A_279 = arith.constant 0 : i32
      %dma_wait3A_280 = arith.constant 3 : i32
      %dma_wait3A_281 = arith.constant 0 : i32
      %dma_wait3A_282 = arith.constant 0 : i32
      %dma_wait3A_283 = tpu.memref_slice %arg8[%dma_wait3A_280, %dma_wait3A_281, %dma_wait3A_282] : memref<4x200x128xf32, #tpu.memory_space<vmem>> -> memref<1x128x128xf32, #tpu.memory_space<vmem>>
      %dma_wait3A_284 = tpu.memref_squeeze %dma_wait3A_283 : memref<1x128x128xf32, #tpu.memory_space<vmem>> -> memref<128x128xf32, #tpu.memory_space<vmem>>
      %dma_wait3A_285 = arith.constant 0 : i32
      %dma_wait3A_286 = tpu.memref_slice %arg7[%dma_wait3A_279, %dma_wait3A_285] : memref<32x200xi32, #tpu.memory_space<vmem>> -> memref<1x128xi32, #tpu.memory_space<vmem>>
      %dma_wait3A_287 = tpu.memref_squeeze %dma_wait3A_286 : memref<1x128xi32, #tpu.memory_space<vmem>> -> memref<128xi32, #tpu.memory_space<vmem>>
      %dma_wait3A_288 = arith.constant 0 : i32
      %dma_wait3A_289 = arith.constant 0 : i32
      %dma_wait3A_290 = tpu.memref_slice %arg3[%dma_wait3A_288, %dma_wait3A_289] : memref<100000x128xf32, #tpu.memory_space<hbm>> -> memref<100000x128xf32, #tpu.memory_space<hbm>>
      tpu.wait_indirect_dma semaphore(%arg14 : memref<!tpu.dma_semaphore, #tpu.memory_space<semaphore_mem>>) src(%dma_wait3A_290 : memref<100000x128xf32, #tpu.memory_space<hbm>>) dst(%dma_wait3A_284 : memref<128x128xf32, #tpu.memory_space<vmem>>)
      %dma_wait3A_291 = arith.constant 0 : i32
      %dma_wait3A_292 = arith.constant 3 : i32
      %dma_wait3A_293 = arith.constant 128 : i32
      %dma_wait3A_294 = arith.constant 0 : i32
      %dma_wait3A_295 = tpu.memref_slice %arg8[%dma_wait3A_292, %dma_wait3A_293, %dma_wait3A_294] : memref<4x200x128xf32, #tpu.memory_space<vmem>> -> memref<1x72x128xf32, #tpu.memory_space<vmem>>
      %dma_wait3A_296 = tpu.memref_squeeze %dma_wait3A_295 : memref<1x72x128xf32, #tpu.memory_space<vmem>> -> memref<72x128xf32, #tpu.memory_space<vmem>>
      %dma_wait3A_297 = arith.constant 128 : i32
      %dma_wait3A_298 = tpu.memref_slice %arg7[%dma_wait3A_291, %dma_wait3A_297] : memref<32x200xi32, #tpu.memory_space<vmem>> -> memref<1x72xi32, #tpu.memory_space<vmem>>
      %dma_wait3A_299 = tpu.memref_squeeze %dma_wait3A_298 : memref<1x72xi32, #tpu.memory_space<vmem>> -> memref<72xi32, #tpu.memory_space<vmem>>
      %dma_wait3A_300 = arith.constant 0 : i32
      %dma_wait3A_301 = arith.constant 0 : i32
      %dma_wait3A_302 = tpu.memref_slice %arg3[%dma_wait3A_300, %dma_wait3A_301] : memref<100000x128xf32, #tpu.memory_space<hbm>> -> memref<100000x128xf32, #tpu.memory_space<hbm>>
      tpu.wait_indirect_dma semaphore(%arg14 : memref<!tpu.dma_semaphore, #tpu.memory_space<semaphore_mem>>) src(%dma_wait3A_302 : memref<100000x128xf32, #tpu.memory_space<hbm>>) dst(%dma_wait3A_296 : memref<72x128xf32, #tpu.memory_space<vmem>>)
      %mul3A_303 = arith.constant 200 : i32
      %mul3A_304 = arith.muli %add3A_278, %mul3A_303 : i32
      %add3A_305 = arith.addi %mul3A_2, %mul3A_304 : i32
      %dma_start3A_306 = arith.constant 3 : i32
      %dma_start3A_307 = arith.constant 0 : i32
      %dma_start3A_308 = arith.constant 0 : i32
      %dma_start3A_309 = tpu.memref_slice %arg8[%dma_start3A_306, %dma_start3A_307, %dma_start3A_308] : memref<4x200x128xf32, #tpu.memory_space<vmem>> -> memref<1x200x128xf32, #tpu.memory_space<vmem>>
      %dma_start3A_310 = tpu.memref_squeeze %dma_start3A_309 : memref<1x200x128xf32, #tpu.memory_space<vmem>> -> memref<200x128xf32, #tpu.memory_space<vmem>>
      %dma_start3A_311 = arith.constant 0 : i32
      %dma_start3A_312 = tpu.memref_slice %arg6[%add3A_305, %dma_start3A_311] : memref<204800x128xf32, #tpu.memory_space<hbm>> -> memref<200x128xf32, #tpu.memory_space<hbm>>
      %dma_start3A_313 = arith.constant 0 : i32
      %dma_start3A_314 = tpu.memref_slice %arg6[%add3A_305, %dma_start3A_313] : memref<204800x128xf32, #tpu.memory_space<hbm>> -> memref<200x128xf32, #tpu.memory_space<hbm>>
      %dma_start3A_315 = arith.constant 0 : i32
      %dma_start3A_316 = arith.constant 0 : i32
      %dma_start3A_317 = tpu.memref_slice %arg8[%dma_start3A_306, %dma_start3A_315, %dma_start3A_316] : memref<4x200x128xf32, #tpu.memory_space<vmem>> -> memref<1x200x128xf32, #tpu.memory_space<vmem>>
      %dma_start3A_318 = tpu.memref_squeeze %dma_start3A_317 : memref<1x200x128xf32, #tpu.memory_space<vmem>> -> memref<200x128xf32, #tpu.memory_space<vmem>>
      tpu.enqueue_dma source(%dma_start3A_318 : memref<200x128xf32, #tpu.memory_space<vmem>>) target(%dma_start3A_314 : memref<200x128xf32, #tpu.memory_space<hbm>>) target_semaphore(%arg18 : memref<!tpu.dma_semaphore, #tpu.memory_space<semaphore_mem>>)
      %add3A_319 = arith.constant 2 : i32
      %add3A_320 = arith.addi %add3A_278, %add3A_319 : i32
      %lt3A_321 = arith.constant 32 : i32
      %lt3A_322 = arith.cmpi slt, %add3A_320, %lt3A_321 : i32
      %convert_element_type3A_323 = arith.extui %lt3A_322 : i1 to i32
      %cond3A_324 = arith.constant 0 : i32
      %cond3A_325 = arith.cmpi ne, %convert_element_type3A_323, %cond3A_324 : i32
      scf.if %cond3A_325 {
        %ge3A = arith.constant 4 : i32
        %ge3A_326 = arith.cmpi sge, %add3A_320, %ge3A : i32
        %convert_element_type3A_327 = arith.extui %ge3A_326 : i1 to i32
        %cond3A_328 = arith.constant 0 : i32
        %cond3A_329 = arith.cmpi ne, %convert_element_type3A_327, %cond3A_328 : i32
        scf.if %cond3A_329 {
          %dma_wait3A_353 = arith.constant 1 : i32
          %dma_wait3A_354 = arith.constant 0 : i32
          %dma_wait3A_355 = arith.constant 0 : i32
          %dma_wait3A_356 = tpu.memref_slice %arg8[%dma_wait3A_353, %dma_wait3A_354, %dma_wait3A_355] : memref<4x200x128xf32, #tpu.memory_space<vmem>> -> memref<1x200x128xf32, #tpu.memory_space<vmem>>
          %dma_wait3A_357 = tpu.memref_squeeze %dma_wait3A_356 : memref<1x200x128xf32, #tpu.memory_space<vmem>> -> memref<200x128xf32, #tpu.memory_space<vmem>>
          %dma_wait3A_358 = arith.constant 0 : i32
          %dma_wait3A_359 = arith.constant 0 : i32
          %dma_wait3A_360 = tpu.memref_slice %arg6[%dma_wait3A_358, %dma_wait3A_359] : memref<204800x128xf32, #tpu.memory_space<hbm>> -> memref<200x128xf32, #tpu.memory_space<hbm>>
          %dma_wait3A_361 = arith.constant 0 : i32
          %dma_wait3A_362 = arith.constant 0 : i32
          %dma_wait3A_363 = tpu.memref_slice %arg6[%dma_wait3A_361, %dma_wait3A_362] : memref<204800x128xf32, #tpu.memory_space<hbm>> -> memref<200x128xf32, #tpu.memory_space<hbm>>
          %dma_wait3A_364 = arith.constant 0 : i32
          %dma_wait3A_365 = arith.constant 0 : i32
          %dma_wait3A_366 = tpu.memref_slice %arg8[%dma_wait3A_353, %dma_wait3A_364, %dma_wait3A_365] : memref<4x200x128xf32, #tpu.memory_space<vmem>> -> memref<1x200x128xf32, #tpu.memory_space<vmem>>
          %dma_wait3A_367 = tpu.memref_squeeze %dma_wait3A_366 : memref<1x200x128xf32, #tpu.memory_space<vmem>> -> memref<200x128xf32, #tpu.memory_space<vmem>>
          tpu.wait_dma2 semaphore(%arg16 : memref<!tpu.dma_semaphore, #tpu.memory_space<semaphore_mem>>) src(%dma_wait3A_367 : memref<200x128xf32, #tpu.memory_space<vmem>>) dst(%dma_wait3A_363 : memref<200x128xf32, #tpu.memory_space<hbm>>)
        } else {
        }
        %run_scoped3A_330 = arith.constant 1 : i32
        "tpu.region"() ({
          %run_scoped3A_353 = tpu.sem_alloc : memref<!tpu.dma_semaphore, #tpu.memory_space<semaphore_mem>>
          %dma_start3A_354 = arith.constant 0 : i32
          %dma_start3A_355 = arith.constant 0 : i32
          %dma_start3A_356 = tpu.memref_slice %arg8[%run_scoped3A_330, %dma_start3A_354, %dma_start3A_355] : memref<4x200x128xf32, #tpu.memory_space<vmem>> -> memref<1x200x128xf32, #tpu.memory_space<vmem>>
          %dma_start3A_357 = tpu.memref_squeeze %dma_start3A_356 : memref<1x200x128xf32, #tpu.memory_space<vmem>> -> memref<200x128xf32, #tpu.memory_space<vmem>>
          %dma_start3A_358 = arith.constant 0 : i32
          %dma_start3A_359 = arith.constant 0 : i32
          %dma_start3A_360 = tpu.memref_slice %arg8[%run_scoped3A_330, %dma_start3A_358, %dma_start3A_359] : memref<4x200x128xf32, #tpu.memory_space<vmem>> -> memref<1x200x128xf32, #tpu.memory_space<vmem>>
          %dma_start3A_361 = tpu.memref_squeeze %dma_start3A_360 : memref<1x200x128xf32, #tpu.memory_space<vmem>> -> memref<200x128xf32, #tpu.memory_space<vmem>>
          tpu.enqueue_dma source(%arg10 : memref<200x128xf32, #tpu.memory_space<vmem_shared>>) target(%dma_start3A_361 : memref<200x128xf32, #tpu.memory_space<vmem>>) target_semaphore(%run_scoped3A_353 : memref<!tpu.dma_semaphore, #tpu.memory_space<semaphore_mem>>)
          %dma_wait3A_362 = arith.constant 0 : i32
          %dma_wait3A_363 = arith.constant 0 : i32
          %dma_wait3A_364 = tpu.memref_slice %arg8[%run_scoped3A_330, %dma_wait3A_362, %dma_wait3A_363] : memref<4x200x128xf32, #tpu.memory_space<vmem>> -> memref<1x200x128xf32, #tpu.memory_space<vmem>>
          %dma_wait3A_365 = tpu.memref_squeeze %dma_wait3A_364 : memref<1x200x128xf32, #tpu.memory_space<vmem>> -> memref<200x128xf32, #tpu.memory_space<vmem>>
          %dma_wait3A_366 = arith.constant 0 : i32
          %dma_wait3A_367 = arith.constant 0 : i32
          %dma_wait3A_368 = tpu.memref_slice %arg8[%run_scoped3A_330, %dma_wait3A_366, %dma_wait3A_367] : memref<4x200x128xf32, #tpu.memory_space<vmem>> -> memref<1x200x128xf32, #tpu.memory_space<vmem>>
          %dma_wait3A_369 = tpu.memref_squeeze %dma_wait3A_368 : memref<1x200x128xf32, #tpu.memory_space<vmem>> -> memref<200x128xf32, #tpu.memory_space<vmem>>
          tpu.wait_dma2 semaphore(%run_scoped3A_353 : memref<!tpu.dma_semaphore, #tpu.memory_space<semaphore_mem>>) src(%arg10 : memref<200x128xf32, #tpu.memory_space<vmem_shared>>) dst(%dma_wait3A_369 : memref<200x128xf32, #tpu.memory_space<vmem>>)
          tpu.yield
        }) : () -> ()
        %dma_start3A_331 = arith.constant 1 : i32
        %dma_start3A_332 = arith.constant 0 : i32
        %dma_start3A_333 = arith.constant 0 : i32
        %dma_start3A_334 = tpu.memref_slice %arg8[%dma_start3A_331, %dma_start3A_332, %dma_start3A_333] : memref<4x200x128xf32, #tpu.memory_space<vmem>> -> memref<1x128x128xf32, #tpu.memory_space<vmem>>
        %dma_start3A_335 = tpu.memref_squeeze %dma_start3A_334 : memref<1x128x128xf32, #tpu.memory_space<vmem>> -> memref<128x128xf32, #tpu.memory_space<vmem>>
        %dma_start3A_336 = arith.constant 0 : i32
        %dma_start3A_337 = tpu.memref_slice %arg7[%add3A_320, %dma_start3A_336] : memref<32x200xi32, #tpu.memory_space<vmem>> -> memref<1x128xi32, #tpu.memory_space<vmem>>
        %dma_start3A_338 = tpu.memref_squeeze %dma_start3A_337 : memref<1x128xi32, #tpu.memory_space<vmem>> -> memref<128xi32, #tpu.memory_space<vmem>>
        %dma_start3A_339 = arith.constant 0 : i32
        %dma_start3A_340 = arith.constant 0 : i32
        %dma_start3A_341 = tpu.memref_slice %arg3[%dma_start3A_339, %dma_start3A_340] : memref<100000x128xf32, #tpu.memory_space<hbm>> -> memref<100000x128xf32, #tpu.memory_space<hbm>>
        tpu.enqueue_indirect_dma source(%dma_start3A_341 : memref<100000x128xf32, #tpu.memory_space<hbm>>) target(%dma_start3A_335 : memref<128x128xf32, #tpu.memory_space<vmem>>) offsets(%dma_start3A_338 : memref<128xi32, #tpu.memory_space<vmem>>) semaphore(%arg12 : memref<!tpu.dma_semaphore, #tpu.memory_space<semaphore_mem>>) {add = true}
        %dma_start3A_342 = arith.constant 1 : i32
        %dma_start3A_343 = arith.constant 128 : i32
        %dma_start3A_344 = arith.constant 0 : i32
        %dma_start3A_345 = tpu.memref_slice %arg8[%dma_start3A_342, %dma_start3A_343, %dma_start3A_344] : memref<4x200x128xf32, #tpu.memory_space<vmem>> -> memref<1x72x128xf32, #tpu.memory_space<vmem>>
        %dma_start3A_346 = tpu.memref_squeeze %dma_start3A_345 : memref<1x72x128xf32, #tpu.memory_space<vmem>> -> memref<72x128xf32, #tpu.memory_space<vmem>>
        %dma_start3A_347 = arith.constant 128 : i32
        %dma_start3A_348 = tpu.memref_slice %arg7[%add3A_320, %dma_start3A_347] : memref<32x200xi32, #tpu.memory_space<vmem>> -> memref<1x72xi32, #tpu.memory_space<vmem>>
        %dma_start3A_349 = tpu.memref_squeeze %dma_start3A_348 : memref<1x72xi32, #tpu.memory_space<vmem>> -> memref<72xi32, #tpu.memory_space<vmem>>
        %dma_start3A_350 = arith.constant 0 : i32
        %dma_start3A_351 = arith.constant 0 : i32
        %dma_start3A_352 = tpu.memref_slice %arg3[%dma_start3A_350, %dma_start3A_351] : memref<100000x128xf32, #tpu.memory_space<hbm>> -> memref<100000x128xf32, #tpu.memory_space<hbm>>
        tpu.enqueue_indirect_dma source(%dma_start3A_352 : memref<100000x128xf32, #tpu.memory_space<hbm>>) target(%dma_start3A_346 : memref<72x128xf32, #tpu.memory_space<vmem>>) offsets(%dma_start3A_349 : memref<72xi32, #tpu.memory_space<vmem>>) semaphore(%arg12 : memref<!tpu.dma_semaphore, #tpu.memory_space<semaphore_mem>>) {add = true}
      } else {
      }
    }
    %scan3A_58 = arith.constant 8 : i32
    %dma_wait3A = arith.constant 0 : i32
    %dma_wait3A_59 = arith.constant 0 : i32
    %dma_wait3A_60 = arith.constant 0 : i32
    %dma_wait3A_61 = tpu.memref_slice %arg8[%dma_wait3A, %dma_wait3A_59, %dma_wait3A_60] : memref<4x200x128xf32, #tpu.memory_space<vmem>> -> memref<1x200x128xf32, #tpu.memory_space<vmem>>
    %dma_wait3A_62 = tpu.memref_squeeze %dma_wait3A_61 : memref<1x200x128xf32, #tpu.memory_space<vmem>> -> memref<200x128xf32, #tpu.memory_space<vmem>>
    %dma_wait3A_63 = arith.constant 0 : i32
    %dma_wait3A_64 = arith.constant 0 : i32
    %dma_wait3A_65 = tpu.memref_slice %arg6[%dma_wait3A_63, %dma_wait3A_64] : memref<204800x128xf32, #tpu.memory_space<hbm>> -> memref<200x128xf32, #tpu.memory_space<hbm>>
    %dma_wait3A_66 = arith.constant 0 : i32
    %dma_wait3A_67 = arith.constant 0 : i32
    %dma_wait3A_68 = tpu.memref_slice %arg6[%dma_wait3A_66, %dma_wait3A_67] : memref<204800x128xf32, #tpu.memory_space<hbm>> -> memref<200x128xf32, #tpu.memory_space<hbm>>
    %dma_wait3A_69 = arith.constant 0 : i32
    %dma_wait3A_70 = arith.constant 0 : i32
    %dma_wait3A_71 = tpu.memref_slice %arg8[%dma_wait3A, %dma_wait3A_69, %dma_wait3A_70] : memref<4x200x128xf32, #tpu.memory_space<vmem>> -> memref<1x200x128xf32, #tpu.memory_space<vmem>>
    %dma_wait3A_72 = tpu.memref_squeeze %dma_wait3A_71 : memref<1x200x128xf32, #tpu.memory_space<vmem>> -> memref<200x128xf32, #tpu.memory_space<vmem>>
    tpu.wait_dma2 semaphore(%arg15 : memref<!tpu.dma_semaphore, #tpu.memory_space<semaphore_mem>>) src(%dma_wait3A_72 : memref<200x128xf32, #tpu.memory_space<vmem>>) dst(%dma_wait3A_68 : memref<200x128xf32, #tpu.memory_space<hbm>>)
    %dma_wait3A_73 = arith.constant 1 : i32
    %dma_wait3A_74 = arith.constant 0 : i32
    %dma_wait3A_75 = arith.constant 0 : i32
    %dma_wait3A_76 = tpu.memref_slice %arg8[%dma_wait3A_73, %dma_wait3A_74, %dma_wait3A_75] : memref<4x200x128xf32, #tpu.memory_space<vmem>> -> memref<1x200x128xf32, #tpu.memory_space<vmem>>
    %dma_wait3A_77 = tpu.memref_squeeze %dma_wait3A_76 : memref<1x200x128xf32, #tpu.memory_space<vmem>> -> memref<200x128xf32, #tpu.memory_space<vmem>>
    %dma_wait3A_78 = arith.constant 0 : i32
    %dma_wait3A_79 = arith.constant 0 : i32
    %dma_wait3A_80 = tpu.memref_slice %arg6[%dma_wait3A_78, %dma_wait3A_79] : memref<204800x128xf32, #tpu.memory_space<hbm>> -> memref<200x128xf32, #tpu.memory_space<hbm>>
    %dma_wait3A_81 = arith.constant 0 : i32
    %dma_wait3A_82 = arith.constant 0 : i32
    %dma_wait3A_83 = tpu.memref_slice %arg6[%dma_wait3A_81, %dma_wait3A_82] : memref<204800x128xf32, #tpu.memory_space<hbm>> -> memref<200x128xf32, #tpu.memory_space<hbm>>
    %dma_wait3A_84 = arith.constant 0 : i32
    %dma_wait3A_85 = arith.constant 0 : i32
    %dma_wait3A_86 = tpu.memref_slice %arg8[%dma_wait3A_73, %dma_wait3A_84, %dma_wait3A_85] : memref<4x200x128xf32, #tpu.memory_space<vmem>> -> memref<1x200x128xf32, #tpu.memory_space<vmem>>
    %dma_wait3A_87 = tpu.memref_squeeze %dma_wait3A_86 : memref<1x200x128xf32, #tpu.memory_space<vmem>> -> memref<200x128xf32, #tpu.memory_space<vmem>>
    tpu.wait_dma2 semaphore(%arg16 : memref<!tpu.dma_semaphore, #tpu.memory_space<semaphore_mem>>) src(%dma_wait3A_87 : memref<200x128xf32, #tpu.memory_space<vmem>>) dst(%dma_wait3A_83 : memref<200x128xf32, #tpu.memory_space<hbm>>)
    %dma_wait3A_88 = arith.constant 2 : i32
    %dma_wait3A_89 = arith.constant 0 : i32
    %dma_wait3A_90 = arith.constant 0 : i32
    %dma_wait3A_91 = tpu.memref_slice %arg8[%dma_wait3A_88, %dma_wait3A_89, %dma_wait3A_90] : memref<4x200x128xf32, #tpu.memory_space<vmem>> -> memref<1x200x128xf32, #tpu.memory_space<vmem>>
    %dma_wait3A_92 = tpu.memref_squeeze %dma_wait3A_91 : memref<1x200x128xf32, #tpu.memory_space<vmem>> -> memref<200x128xf32, #tpu.memory_space<vmem>>
    %dma_wait3A_93 = arith.constant 0 : i32
    %dma_wait3A_94 = arith.constant 0 : i32
    %dma_wait3A_95 = tpu.memref_slice %arg6[%dma_wait3A_93, %dma_wait3A_94] : memref<204800x128xf32, #tpu.memory_space<hbm>> -> memref<200x128xf32, #tpu.memory_space<hbm>>
    %dma_wait3A_96 = arith.constant 0 : i32
    %dma_wait3A_97 = arith.constant 0 : i32
    %dma_wait3A_98 = tpu.memref_slice %arg6[%dma_wait3A_96, %dma_wait3A_97] : memref<204800x128xf32, #tpu.memory_space<hbm>> -> memref<200x128xf32, #tpu.memory_space<hbm>>
    %dma_wait3A_99 = arith.constant 0 : i32
    %dma_wait3A_100 = arith.constant 0 : i32
    %dma_wait3A_101 = tpu.memref_slice %arg8[%dma_wait3A_88, %dma_wait3A_99, %dma_wait3A_100] : memref<4x200x128xf32, #tpu.memory_space<vmem>> -> memref<1x200x128xf32, #tpu.memory_space<vmem>>
    %dma_wait3A_102 = tpu.memref_squeeze %dma_wait3A_101 : memref<1x200x128xf32, #tpu.memory_space<vmem>> -> memref<200x128xf32, #tpu.memory_space<vmem>>
    tpu.wait_dma2 semaphore(%arg17 : memref<!tpu.dma_semaphore, #tpu.memory_space<semaphore_mem>>) src(%dma_wait3A_102 : memref<200x128xf32, #tpu.memory_space<vmem>>) dst(%dma_wait3A_98 : memref<200x128xf32, #tpu.memory_space<hbm>>)
    %dma_wait3A_103 = arith.constant 3 : i32
    %dma_wait3A_104 = arith.constant 0 : i32
    %dma_wait3A_105 = arith.constant 0 : i32
    %dma_wait3A_106 = tpu.memref_slice %arg8[%dma_wait3A_103, %dma_wait3A_104, %dma_wait3A_105] : memref<4x200x128xf32, #tpu.memory_space<vmem>> -> memref<1x200x128xf32, #tpu.memory_space<vmem>>
    %dma_wait3A_107 = tpu.memref_squeeze %dma_wait3A_106 : memref<1x200x128xf32, #tpu.memory_space<vmem>> -> memref<200x128xf32, #tpu.memory_space<vmem>>
    %dma_wait3A_108 = arith.constant 0 : i32
    %dma_wait3A_109 = arith.constant 0 : i32
    %dma_wait3A_110 = tpu.memref_slice %arg6[%dma_wait3A_108, %dma_wait3A_109] : memref<204800x128xf32, #tpu.memory_space<hbm>> -> memref<200x128xf32, #tpu.memory_space<hbm>>
    %dma_wait3A_111 = arith.constant 0 : i32
    %dma_wait3A_112 = arith.constant 0 : i32
    %dma_wait3A_113 = tpu.memref_slice %arg6[%dma_wait3A_111, %dma_wait3A_112] : memref<204800x128xf32, #tpu.memory_space<hbm>> -> memref<200x128xf32, #tpu.memory_space<hbm>>
    %dma_wait3A_114 = arith.constant 0 : i32
    %dma_wait3A_115 = arith.constant 0 : i32
    %dma_wait3A_116 = tpu.memref_slice %arg8[%dma_wait3A_103, %dma_wait3A_114, %dma_wait3A_115] : memref<4x200x128xf32, #tpu.memory_space<vmem>> -> memref<1x200x128xf32, #tpu.memory_space<vmem>>
    %dma_wait3A_117 = tpu.memref_squeeze %dma_wait3A_116 : memref<1x200x128xf32, #tpu.memory_space<vmem>> -> memref<200x128xf32, #tpu.memory_space<vmem>>
    tpu.wait_dma2 semaphore(%arg18 : memref<!tpu.dma_semaphore, #tpu.memory_space<semaphore_mem>>) src(%dma_wait3A_117 : memref<200x128xf32, #tpu.memory_space<vmem>>) dst(%dma_wait3A_113 : memref<200x128xf32, #tpu.memory_space<hbm>>)
    return
  }
}

</mosaic_0001>

<sc_bundles>
// kernel: kernel.3.cloned.1.call-start
scs
__scs_entry_jumppad:
0x0: {  	(pc) =	sbr.rel $0x88, $3  }
0x1: {  	(tag) =	ssettag $0x0;
	lr =	simm.s32 $0x1  }
0x2: {  	[smem:$0x3F9D] =	sst lr;
	_ =	strace $0xD0000000  }
0x3: {  	_ = 	snop  }
0x4: {  	_ = 	snop  }
0x5: {  	_ = 	snop  }
0x6: {  	_ = 	snop  }
0x7: {  	_ = 	snop  }
__scs_overlays_trampoline_lowered:
0x8: {  	[smem:$0x3FAC] =	sst s0  }
0x9: {  	[smem:$0x3FAD] =	sst s1  }
0xa: {  	[smem:$0x3FAE] =	sst s2  }
0xb: {  	[smem:$0x3FAF] =	sst s3  }
0xc: {  	[smem:$0x3FB0] =	sst s4  }
0xd: {  	[smem:$0x3FB1] =	sst s5  }
0xe: {  	[smem:$0x3FB2] =	sst s6  }
0xf: {  	[smem:$0x3FB3] =	sst s7  }
0x10: {  	[smem:$0x3FB4] =	sst s8  }
0x11: {  	[smem:$0x3FB5] =	sst s9;
	s0 =	simm.s32 @!p0 $0x0  }
0x12: {  	s1 =	sld [smem:$0x3F9B];
	s0 =	simm.s32 @p0 $0x1  }
0x13: {  	[smem:$0x3FB6] =	sst s0;
	s0 =	simm.s32 @!p1 $0x0  }
0x14: {  	s2 =	sld [smem:$0x3F9A];
	s0 =	simm.s32 @p1 $0x1  }
0x15: {  	[smem:$0x3FB7] =	sst s0;
	s0 =	simm.s32 @!p2 $0x0  }
0x16: {  	s3 =	sld [smem:$0x3FDB];
	s0 =	simm.s32 @p2 $0x1  }
0x17: {  	s4 =	simm.s32 $0x1BF5;
	[smem:$0x3FB9] =	sst s0  }
0x18: {  	s0 =	sld [smem:$0x3F9C];
	_ =	swait.ge [sflag:s4], $0x0  }
0x19: {  	s7 =	sld [smem:$0x3F9D]  }
0x1a: {  	s8 =	sadd.s32 $0xFFFFE003, lr  }
0x1b: {  	s9 =	sadd.s32 $0xFFFFFEF7, lr;
	s5 =	simm.s32 $0xFFFFFFFF;
	p2 =	slt.u32 s8, $0xFFFFF086  }
0x1c: {  	p1 =	slt.u32 s9, $0xF7A;
	s5 =	simm.s32 @!p2 $0x0  }
0x1d: {  	s5 =	simm.s32 @p1 $0x1;
	p0 =	seq.s32 s7, s2  }
0x1e: {  	s7 =	smul.u32 @!p0 $0xF7A, s2;
	p2 =	seq.s32 @!p0 s5, $0x0  }
0x1f: {  	s9 =	smul.u32 $0xF7A, s1;
	s8 =	simm.s32 @!p0 $0x1BF5;
	p2 =	por !p2, p0  }
0x20: {  	[sflag:s8] =	ssyncset.s32 @!p0 $0xFFFFF086;
	s6 =	sadd.s32 @!p0 s3, s7;
	s7 =	simm.s32 @!p0 $0x108  }
0x21: {  	s3 =	sadd.s32 s3, s9;
	s6 =	sadd.s32 @!p0 $0x88, s6;
	s7 =	simm.s32 @p2 $0x1082  }
0x22: {  	[simem:s7], [sflag:s8] =	dma.local @!p0 [hbm:s6], $0xF7A  }
0x23: {  	s9 =	sor.u32 $0xD0000000, s2;
	s6 =	simm.s32 $0x108;
	_ =	swait.ge @!p0 [sflag:s8], $0x0  }
0x24: {  	s3 =	sadd.s32 $0x88, s3;
	s6 =	simm.s32 @!p1 $0x1082;
	[sflag:s4] =	ssyncset.s32 $0xFFFFF086  }
0x25: {  	[simem:s6], [sflag:s4] =	dma.local [hbm:s3], $0xF7A  }
0x26: {  	[smem:$0x3F9D] =	sst s1;
	(tag) =	ssettag s2;
	_ =	strace s9  }
0x27: {  	s1 =	sld [smem:$0x3FAD]  }
0x28: {  	s2 =	sld [smem:$0x3FAE]  }
0x29: {  	s4 =	sld [smem:$0x3FB0]  }
0x2a: {  	p0 =	seq.s32 s5, $0x0;
	s5 =	sld [smem:$0x3FB1]  }
0x2b: {  	s6 =	sld [smem:$0x3FB2]  }
0x2c: {  	s7 =	sld [smem:$0x3FB3]  }
0x2d: {  	s3 =	simm.s32 $0x108;
	s8 =	sld [smem:$0x3FB4]  }
0x2e: {  	s3 =	simm.s32 @!p0 $0x1082;
	s9 =	sld [smem:$0x3FB5]  }
0x2f: {  	lr =	sadd.s32 s0, s3;
	s0 =	sld [smem:$0x3FAC]  }
0x30: {  	s3 =	sld [smem:$0x3FAF]  }
0x31: {  	[smem:$0x3FB8] =	sst s10  }
0x32: {  	s10 =	sld [smem:$0x3FB6];
	_ =	sdelay $0x3  }
0x33: {  	p0 =	seq.s32 s10, $0x1;
	s10 =	sld [smem:$0x3FB8];
	_ =	sdelay $0x3  }
0x34: {  	[smem:$0x3FB8] =	sst s10  }
0x35: {  	s10 =	sld [smem:$0x3FB7];
	_ =	sdelay $0x3  }
0x36: {  	p1 =	seq.s32 s10, $0x1;
	s10 =	sld [smem:$0x3FB8];
	_ =	sdelay $0x3  }
0x37: {  	[smem:$0x3FB8] =	sst s10  }
0x38: {  	s10 =	sld [smem:$0x3FB9]  }
0x39: {  	_ = 	snop;
	(pc) =	sbr.ind lr, $3  }
0x3a: {  	_ = 	snop  }
0x3b: {  	_ = 	snop  }
0x3c: {  	p2 =	seq.s32 s10, $0x1;
	s10 =	sld [smem:$0x3FB8]  }
0x3d: {  	_ =	shalt  }
0x3e: {  	_ =	shalt  }
0x3f: {  	_ =	shalt  }
0x40: {  	_ =	shalt  }
0x41: {  	_ =	shalt  }
0x42: {  	_ =	shalt  }
0x43: {  	_ =	shalt  }
0x44: {  	_ =	shalt  }
0x45: {  	_ =	shalt  }
0x46: {  	_ =	shalt  }
0x47: {  	_ =	shalt  }
0x48: {  	_ =	shalt  }
0x49: {  	_ =	shalt  }
0x4a: {  	_ =	shalt  }
0x4b: {  	_ =	shalt  }
0x4c: {  	_ =	shalt  }
0x4d: {  	_ =	shalt  }
0x4e: {  	_ =	shalt  }
0x4f: {  	_ =	shalt  }
0x50: {  	_ =	shalt  }
0x51: {  	_ =	shalt  }
0x52: {  	_ =	shalt  }
0x53: {  	_ =	shalt  }
0x54: {  	_ =	shalt  }
0x55: {  	_ =	shalt  }
0x56: {  	_ =	shalt  }
0x57: {  	_ =	shalt  }
0x58: {  	_ =	shalt  }
0x59: {  	_ =	shalt  }
0x5a: {  	_ =	shalt  }
0x5b: {  	_ =	shalt  }
0x5c: {  	_ =	shalt  }
0x5d: {  	_ =	shalt  }
0x5e: {  	_ =	shalt  }
0x5f: {  	_ =	shalt  }
0x60: {  	_ =	shalt  }
0x61: {  	_ =	shalt  }
0x62: {  	_ =	shalt  }
0x63: {  	_ =	shalt  }
0x64: {  	_ =	shalt  }
0x65: {  	_ =	shalt  }
0x66: {  	_ =	shalt  }
0x67: {  	_ =	shalt  }
0x68: {  	_ =	shalt  }
0x69: {  	_ =	shalt  }
0x6a: {  	_ =	shalt  }
0x6b: {  	_ =	shalt  }
0x6c: {  	_ =	shalt  }
0x6d: {  	_ =	shalt  }
0x6e: {  	_ =	shalt  }
0x6f: {  	_ =	shalt  }
0x70: {  	_ =	shalt  }
0x71: {  	_ =	shalt  }
0x72: {  	_ =	shalt  }
0x73: {  	_ =	shalt  }
0x74: {  	_ =	shalt  }
0x75: {  	_ =	shalt  }
0x76: {  	_ =	shalt  }
0x77: {  	_ =	shalt  }
0x78: {  	_ =	shalt  }
0x79: {  	_ =	shalt  }
0x7a: {  	_ =	shalt  }
0x7b: {  	_ =	shalt  }
0x7c: {  	_ =	shalt  }
0x7d: {  	_ =	shalt  }
0x7e: {  	_ =	shalt  }
0x7f: {  	_ =	shalt  }
0x80: {  	_ =	shalt  }
0x81: {  	_ =	shalt  }
0x82: {  	_ =	shalt  }
0x83: {  	_ =	shalt  }
0x84: {  	_ =	shalt  }
0x85: {  	_ =	shalt  }
0x86: {  	_ =	shalt  }
0x87: {  	_ =	shalt  }
.Lfunc_end0:
.L_simem_size_0:
called_computation_lowered:
.L_overlay_start_0:
0x88: {  	s2 =	sld [smem:$0x3FD9]  }
0x89: {  	s3 =	sld [smem:$0x3FFE];
	_ =	sdelay $0x1  }
0x8a: {  	s1 =	srdreg.scid  }
0x8b: {  	s0 =	sand.u32 $0x1, s1  }
0x8c: {  	s17 =	sshll.u32 s0, $0xA;
	s2 =	sadd.s32 s3, s2  }
0x8d: {  	s2 =	sadd.s32 s2, s17  }
0x8e: {  	[smem:$0x3FC4] =	sst s2  }
0x8f: {  	_ = 	snop  }
0x90: {  	s2 =	sld [smem:$0x3FC8]  }
0x91: {  	s18 =	sld [smem:$0x3FC7]  }
0x92: {  	s4 =	sld [smem:$0x3FC6]  }
0x93: {  	s5 =	sld [smem:$0x3FD0];
	(tm) =	ssettm $0x1  }
0x94: {  	s6 =	sld [smem:$0x3FFB];
	_ =	sdelay $0x3  }
0x95: {  	_ =	strace s6  }
0x96: {  	s6 =	sld [smem:$0x3FFC];
	_ =	sdelay $0x3  }
0x97: {  	_ =	strace s6  }
0x98: {  	s6 =	sld [smem:$0x3FFD];
	_ =	sdelay $0x3  }
0x99: {  	_ =	strace s6  }
0x9a: {  	_ =	strace $0x8FFFFFFF  }
0x9b: {  	s19 =	sld [smem:$0x3FDB];
	_ =	sdelay $0x1  }
0x9c: {  	s7 =	simm.s32 $_scs_section_size  }
0x9d: {  	s8 =	simm.s32 $_size__tile_overlayer_lowered;
	s9 =	simm.s32 $_tile_overlayer_lowered  }
0x9e: {  	s22 =	simm.s32 $0x1BFF;
	s21 =	sshll.u32 s9, $0x1;
	s6 =	sadd.s32 s7, s19  }
0x9f: {  	s10 =	simm.s32 $0x0;
	s20 =	sshll.u32 s8, $0x1;
	s8 =	sadd.s32 s21, s6  }
0xa0: {  	[timem:s10], [sflag:s22] =	dma.local [hbm:s8], s20  }
0xa1: {  	_ =	swait.ge [sflag:s22], s20  }
0xa2: {  	s7 =	ssub.s32 $0x0, s20;
	[sflag:s22] =	ssyncset.done $0x0  }
0xa3: {  	[sflag:s22] =	ssyncadd.s32 s7;
	_ =	sdelay $0x1  }
0xa4: {  	s23 =	simm.s32 $0x1B8B  }
0xa5: {  	_ =	swait.ge [sflag:s23], $0x1  }
0xa6: {  	[sflag:s23] =	ssyncset.done $0x0  }
0xa7: {  	s25 =	simm.s32 $0x1B8E;
	s24 =	sld [smem:$0x3FFE];
	[sflag:s23] =	ssyncadd.s32 $0xFFFFFFFF  }
0xa8: {  	s26 =	simm.s32 $execute0_lowered;
	[smem:$0x3FD2] =	sst s25  }
0xa9: {  	s8 =	sshll.u32 s26, $0x1;
	_ =	strace $0x80000046;
	[dreg:$0x1] =	wrdreg $0xFFFFFFFF  }
0xaa: {  	s28 =	simm.s32 $_size_execute0_lowered;
	s6 =	sadd.s32 s6, s8;
	[dreg:$0x0] =	wrdreg $0x0  }
0xab: {  	s8 =	sshll.u32 s28, $0x1;
	[dreg:$0x2] =	wrdreg s6  }
0xac: {  	[dreg:$0x3] =	wrdreg s8  }
0xad: {  	[dreg:$0x4] =	wrdreg $0xC0  }
0xae: {  	_ =	task [dreg:s10], $0x5FFFF  }
0xaf: {  	[dreg:$0x1] =	wrdreg $0xFFFFFFFF  }
0xb0: {  	[dreg:$0x0] =	wrdreg $0x60  }
0xb1: {  	[dreg:$0x2] =	wrdreg s24  }
0xb2: {  	[dreg:$0x3] =	wrdreg s2  }
0xb3: {  	[dreg:$0x4] =	wrdreg s18  }
0xb4: {  	[dreg:$0x5] =	wrdreg s4  }
0xb5: {  	[dreg:$0x6] =	wrdreg s5  }
0xb6: {  	[dreg:$0x7] =	wrdreg $0x1B0800  }
0xb7: {  	[dreg:$0x8] =	wrdreg $0x9  }
0xb8: {  	_ =	task.clear_ibuf [dreg:s10], $0x9FFFF;
	_ =	strace $0x90000046  }
0xb9: {  	s29 =	simm.s32 $0x9;
	_ =	strace $0x80000048  }
0xba: {  	_ =	swait.ge [sflag:s29], $0x1  }
0xbb: {  	[sflag:s29] =	ssyncadd.s32 $0xFFFFFFFF  }
0xbc: {  	_ =	strace $0x90000048  }
0xbd: {  	_ =	sfence  }
0xbe: {  	s30 =	sld [smem:$0x0];
	_ =	sdelay $0x2  }
0xbf: {  	s31 =	sshll.u32 s1, $0xD;
	s1 =	sshrl.u32 s1, $0x2  }
0xc0: {  	s3 =	sand.u32 $0x4000, s31;
	s1 =	sadd.s32 s1, s30  }
0xc1: {  	s0 =	sor.u32 s3, s0;
	s1 =	sshll.u32 s1, $0x11  }
0xc2: {  	s0 =	sor.u32 s1, s0  }
0xc3: {  	s0 =	sadd.s32 $0x8F2B, s0  }
0xc4: {  	[sflag:s0] =	ssyncadd.remote.s32 $0x1  }
0xc5: {  	_ =	sfence.sel $0xFFFF  }
0xc6: {  	[dreg:$0x0] =	wrdreg $0xFFFFFFFF;
	(pc) =	sbr.abs _section_cstart, $3  }
0xc7: {  	[dreg:$0x1] =	wrdreg $0xFFFFFFFF  }
0xc8: {  	_ =	task.clear_ibuf [dreg:s10], $0x2FFFF;
	_ =	strace $0x9FFFFFFF  }
0xc9: {  	(tm) =	ssettm $0x7FFFFFFF  }
tec
execute0_lowered:
.L_overlay_start_1:
0x0: {  	(tag) =	ssettag $0x1  }
0x1: {  	s0 =	rddreg [dreg:$0x0]  }
0x2: {  	s1 =	rddreg [dreg:$0x1]  }
0x3: {  	s2 =	rddreg [dreg:$0x4]  }
0x4: {  	s4 =	rddreg [dreg:$0x5]  }
0x5: {  	s5 =	simm.s32 $0x0;
	s3 =	srdreg.scid;
	s8 =	stileid.u32  }
0x6: {  	s12 =	simm.s32 $0x80;
	s13 =	simm.s32 $0x48;
	s16 =	simm.s32 $0x8400  }
0x7: {  	s18 =	simm.s32 $0xC400;
	s19 =	simm.s32 $0x1;
	s20 =	simm.s32 $0xE800  }
0x8: {  	s21 =	simm.s32 $0x12800;
	s22 =	simm.s32 $0x2;
	s23 =	simm.s32 $0x14C00  }
0x9: {  	s24 =	simm.s32 $0x18C00;
	s29 =	simm.s32 $0x6;
	s30 =	simm.s32 $0x7  }
0xa: {  	s31 =	simm.s32 $0x8;
	[smem:$0x7FF] =	sst s5;
	s3 =	sand.u32 $0x1, s3  }
0xb: {  	s6 =	sshll.u32 s8, $0xB;
	s10 =	smul.u32 $0x32000, s8;
	p0 =	sne.s32 s8, $0x0  }
0xc: {  	_ =	strace $0x80000047;
	s7 =	sshll.u32 s3, $0xA;
	s9 =	ssub.s32 $0x2, s3  }
0xd: {  	s3 =	smul.u32 $0x19000, s3;
	s6 =	sor.u32 s7, s6;
	s25 =	sshrl.u32 s9, $0x1  }
.Ltmp0:
0xe: {  	s2 =	sadd.s32 s10, s2;
	s10 =	simm.s32 $0x2000;
	(pc) =	sbr.rel .LBB2_1-.Ltmp0, $4  }
0xf: {  	s0 =	sadd.s32 s6, s0;
	s7 =	ssub.s32 s9, s25;
	s28 =	sadd.s32 s3, s2  }
0x10: {  	s9 =	simm.s32 $0x9;
	s0 =	sadd.s32 $0x400, s0;
	[dreg:$0x9] =	wrdreg s28  }
0x11: {  	s25 =	simm.s32 $0x3;
	s26 =	smax.u32 s7, $0x1;
	[dreg:$0x7] =	wrdreg s0  }
0x12: {  	[dreg:$0x8] =	wrdreg s26;
	s26 =	simm.s32 $0x4;
	s0 =	simm.s32 $0x0  }
.LBB2_8:
0x13: {  	s2 =	simm.s32 $0x5  }
0x14: {  	_ =	swait.ge [sflag:s2], $0x6400  }
0x15: {  	[sflag:s2] =	ssyncset.done $0x0  }
0x16: {  	[sflag:s2] =	ssyncadd.s32 $0xFFFF9C00  }
0x17: {  	_ =	swait.ge [sflag:s29], $0x6400  }
0x18: {  	[sflag:s29] =	ssyncset.done $0x0  }
0x19: {  	[sflag:s29] =	ssyncadd.s32 $0xFFFF9C00  }
0x1a: {  	_ =	swait.ge [sflag:s30], $0x6400  }
0x1b: {  	[sflag:s30] =	ssyncset.done $0x0  }
0x1c: {  	[sflag:s30] =	ssyncadd.s32 $0xFFFF9C00  }
0x1d: {  	_ =	swait.ge [sflag:s31], $0x6400  }
0x1e: {  	s0 =	sadd.s32 $0x1, s0;
	s28 =	rddreg [dreg:$0x8]  }
0x1f: {  	p1 =	sne.s32 s0, s28  }
.Ltmp1:
0x20: {  	_ = 	snop;
	(pc) =	sbr.rel @!p1 .LBB2_9-.Ltmp1, $3  }
0x21: {  	_ =	sdelay $0x1  }
0x22: {  	[sflag:s31] =	ssyncset.done $0x0  }
0x23: {  	[sflag:s31] =	ssyncadd.s32 $0xFFFF9C00  }
.LBB2_1:
.Ltmp2:
0x24: {  	s2 =	rddreg [dreg:$0x7];
	(pc) =	sbr.rel @p0 .LBB2_5-.Ltmp2, $4  }
0x25: {  	[tilespmem:s5], [sflag:$0x9] =	stream.linear.gather [hbm4b:s2+s5], $0x2000, $0x38;
	[tilespmem:$0x1B6C0] =	vst v63  }
0x26: {  	_ =	swait.ge [sflag:s9], $0x2000  }
0x27: {  	[sflag:s9] =	ssyncset.done $0x0  }
0x28: {  	[sflag:s9] =	ssyncadd.s32 $0xFFFFE000  }
0x29: {  	s2 =	simm.s32 $0x0;
	s3 =	rddreg [dreg:$0x3]  }
0x2a: {  	[tilespmem:s10], [sflag:$0x9] =	stream.linear.gather [hbm4b:s3+s2], $0x6400, $0x38;
	[tilespmem:$0x1B6C0] =	vst v63  }
0x2b: {  	_ =	swait.ge [sflag:s9], $0x6400  }
0x2c: {  	[sflag:s9] =	ssyncset.done $0x0  }
0x2d: {  	[sflag:s9] =	ssyncadd.s32 $0xFFFF9C00  }
0x2e: {  	s6 =	simm.s32 $0x1B000;
	s28 =	rddreg [dreg:$0x2]  }
0x2f: {  	[tilespmem:s6], [sflag:$0x9] =	stream.linear.gather [hbm4b:s28+s2], $0x80, $0x38;
	[tilespmem:$0x1B6C0] =	vst v63  }
0x30: {  	_ =	swait.ge [sflag:s9], $0x80  }
0x31: {  	[sflag:s9] =	ssyncset.done $0x0  }
0x32: {  	s2 =	simm.s32 $0x0;
	[sflag:s9] =	ssyncadd.s32 $0xFFFFFF80  }
0x33: {  	s3 =	simm.s32 $0x200;
	v0 =	vld [tilespmem:s2+$0x2000]  }
.LBB2_3:
0x34: {  	p1 =	sne.s32 s3, $0x18E00;
	v1 =	vld [tilespmem:$0x1B000];
	_ =	sdelay $0x4  }
0x35: {  	v0 =	vadd.f32 v1, v0;
	_ =	sdelay $0x1  }
0x36: {  	[tilespmem:s2+$0x2000] =	vst v0;
	v0 =	vld [tilespmem:s2+$0x2010]  }
0x37: {  	v1 =	vld [tilespmem:$0x1B010];
	_ =	sdelay $0x4  }
0x38: {  	v0 =	vadd.f32 v1, v0;
	_ =	sdelay $0x1  }
0x39: {  	[tilespmem:s2+$0x2010] =	vst v0;
	v0 =	vld [tilespmem:s2+$0x2020]  }
0x3a: {  	v1 =	vld [tilespmem:$0x1B020];
	_ =	sdelay $0x4  }
0x3b: {  	v0 =	vadd.f32 v1, v0;
	_ =	sdelay $0x1  }
0x3c: {  	[tilespmem:s2+$0x2020] =	vst v0;
	v0 =	vld [tilespmem:s2+$0x2030]  }
0x3d: {  	v1 =	vld [tilespmem:$0x1B030];
	_ =	sdelay $0x4  }
0x3e: {  	v0 =	vadd.f32 v1, v0;
	_ =	sdelay $0x1  }
0x3f: {  	[tilespmem:s2+$0x2030] =	vst v0;
	v0 =	vld [tilespmem:s2+$0x2040]  }
0x40: {  	v1 =	vld [tilespmem:$0x1B040];
	_ =	sdelay $0x4  }
0x41: {  	v0 =	vadd.f32 v1, v0;
	_ =	sdelay $0x1  }
0x42: {  	[tilespmem:s2+$0x2040] =	vst v0;
	v0 =	vld [tilespmem:s2+$0x2050]  }
0x43: {  	v1 =	vld [tilespmem:$0x1B050];
	_ =	sdelay $0x4  }
0x44: {  	v0 =	vadd.f32 v1, v0;
	_ =	sdelay $0x1  }
0x45: {  	[tilespmem:s2+$0x2050] =	vst v0;
	v0 =	vld [tilespmem:s2+$0x2060]  }
0x46: {  	v1 =	vld [tilespmem:$0x1B060];
	_ =	sdelay $0x4  }
0x47: {  	v0 =	vadd.f32 v1, v0;
	_ =	sdelay $0x1  }
0x48: {  	[tilespmem:s2+$0x2060] =	vst v0;
	v0 =	vld [tilespmem:s2+$0x2070]  }
0x49: {  	v1 =	vld [tilespmem:$0x1B070];
	_ =	sdelay $0x2  }
.Ltmp3:
0x4a: {  	(pc) =	sbr.rel @p1 .LBB2_3-.Ltmp3, $4  }
0x4b: {  	_ = 	snop  }
0x4c: {  	v1 =	vadd.f32 v1, v0  }
0x4d: {  	s8 =	sshra.s32 s3, $0x2  }
0x4e: {  	s3 =	sadd.s32 $0x200, s3;
	v0 =	vld [tilespmem:s8+$0x2000];
	[tilespmem:s2+$0x2070] =	vst v1;
	s2 =	smov.u32 s8  }
0x4f: {  	v1 =	vld [tilespmem:$0x1B000];
	_ =	sdelay $0x4  }
0x50: {  	v0 =	vadd.f32 v1, v0;
	_ =	sdelay $0x1  }
0x51: {  	v50 =	vld [tilespmem:s2+$0x2010];
	[tilespmem:s2+$0x2000] =	vst v0  }
0x52: {  	v51 =	vld [tilespmem:$0x1B010];
	_ =	sdelay $0x4  }
0x53: {  	v0 =	vadd.f32 v51, v50;
	_ =	sdelay $0x1  }
0x54: {  	v52 =	vld [tilespmem:s2+$0x2020];
	[tilespmem:s2+$0x2010] =	vst v0  }
0x55: {  	v53 =	vld [tilespmem:$0x1B020];
	_ =	sdelay $0x4  }
0x56: {  	v0 =	vadd.f32 v53, v52;
	_ =	sdelay $0x1  }
0x57: {  	v54 =	vld [tilespmem:s2+$0x2030];
	[tilespmem:s2+$0x2020] =	vst v0  }
0x58: {  	v55 =	vld [tilespmem:$0x1B030];
	_ =	sdelay $0x4  }
0x59: {  	v0 =	vadd.f32 v55, v54;
	_ =	sdelay $0x1  }
0x5a: {  	v56 =	vld [tilespmem:s2+$0x2040];
	[tilespmem:s2+$0x2030] =	vst v0  }
0x5b: {  	v57 =	vld [tilespmem:$0x1B040];
	_ =	sdelay $0x4  }
0x5c: {  	v0 =	vadd.f32 v57, v56;
	_ =	sdelay $0x1  }
0x5d: {  	v58 =	vld [tilespmem:s2+$0x2050];
	[tilespmem:s2+$0x2040] =	vst v0  }
0x5e: {  	v59 =	vld [tilespmem:$0x1B050];
	_ =	sdelay $0x4  }
0x5f: {  	v0 =	vadd.f32 v59, v58;
	_ =	sdelay $0x1  }
0x60: {  	v60 =	vld [tilespmem:s2+$0x2060];
	[tilespmem:s2+$0x2050] =	vst v0  }
0x61: {  	v61 =	vld [tilespmem:$0x1B060];
	_ =	sdelay $0x4  }
0x62: {  	v0 =	vadd.f32 v61, v60;
	_ =	sdelay $0x1  }
0x63: {  	v62 =	vld [tilespmem:s2+$0x2070];
	[tilespmem:s2+$0x2060] =	vst v0  }
0x64: {  	v63 =	vld [tilespmem:$0x1B070];
	_ =	sdelay $0x4  }
0x65: {  	v0 =	vadd.f32 v63, v62;
	_ =	sdelay $0x1  }
0x66: {  	[tilespmem:s2+$0x2070] =	vst v0  }
0x67: {  	[spmem:s4] =	stream.linear.scatter [tilespmem:s10], [sflag:$0x9], $0x6400, $0x38;
	[tilespmem:$0x1B6C0] =	vst v63  }
0x68: {  	_ =	swait.ge [sflag:s9], $0x6400  }
0x69: {  	[sflag:s9] =	ssyncset.done $0x0  }
0x6a: {  	[sflag:s9] =	ssyncadd.s32 $0xFFFF9C00  }
.LBB2_5:
0x6b: {  	[bflag:$0x0] =	sbarrier.arrive $0xFFFF  }
0x6c: {  	[tilespmem:s10], [sflag:$0x9] =	stream.linear.gather [spmem:s4], $0x6400, $0x38;
	[tilespmem:$0x1B6C0] =	vst v63  }
0x6d: {  	_ =	swait.ge [sflag:s9], $0x6400  }
0x6e: {  	[sflag:s9] =	ssyncset.done $0x0  }
0x6f: {  	s2 =	simm.s32 $0x0;
	[sflag:s9] =	ssyncadd.s32 $0xFFFF9C00  }
0x70: {  	[tilespmem:s10], [sflag:$0x1] =	stream.indirect.gather.add.f32 [hbm:s1], $0x80, s2, s12, $0xb8;
	[tilespmem:$0x1B6C0] =	vst v63  }
0x71: {  	s3 =	simm.s32 $0x400;
	s6 =	simm.s32 $0x6000  }
0x72: {  	[tilespmem:s6], [sflag:$0x1] =	stream.indirect.gather.add.f32 [hbm:s1], $0x80, s3, s13, $0xb8;
	[tilespmem:$0x1B6C0] =	vst v63  }
0x73: {  	_ = 	snop  }
0x74: {  	[tilespmem:s16], [sflag:$0x9] =	stream.linear.gather [spmem:s4], $0x6400, $0x38;
	[tilespmem:$0x1B6C0] =	vst v63  }
0x75: {  	_ =	swait.ge [sflag:s9], $0x6400  }
0x76: {  	s28 =	simm.s32 $0x480;
	[sflag:s9] =	ssyncset.done $0x0  }
0x77: {  	p1 =	por $0x1, $0x1;
	s14 =	simm.s32 $0x0;
	[sflag:s9] =	ssyncadd.s32 $0xFFFF9C00  }
0x78: {  	[tilespmem:s16], [sflag:$0x2] =	stream.indirect.gather.add.f32 [hbm:s1], $0x80, s12, s12, $0xb8;
	[tilespmem:$0x1B6C0] =	vst v63  }
0x79: {  	s15 =	simm.s32 $0x0;
	s3 =	simm.s32 $0x280;
	s8 =	rddreg [dreg:$0x9]  }
0x7a: {  	[tilespmem:s18], [sflag:$0x2] =	stream.indirect.gather.add.f32 [hbm:s1], $0x80, s28, s13, $0xb8;
	[tilespmem:$0x1B6C0] =	vst v63  }
.LBB2_6:
0x7b: {  	_ =	swait.ge [sflag:s19], $0x4000  }
0x7c: {  	[sflag:s19] =	ssyncset.done $0x0  }
0x7d: {  	[sflag:s19] =	ssyncadd.s32 $0xFFFFC000  }
0x7e: {  	_ =	swait.ge [sflag:s19], $0x2400  }
0x7f: {  	p2 =	seq.s32 s14, $0x0;
	[sflag:s19] =	ssyncset.done $0x0  }
0x80: {  	s17 =	simm.s32 @!p2 $0x7;
	[sflag:s19] =	ssyncadd.s32 $0xFFFFDC00  }
0x81: {  	[hbm4b:s8+s5] =	stream.linear.scatter [tilespmem:s10], [sflag:$0x5], $0x6400, $0x38;
	[tilespmem:$0x1B6C0] =	vst v63  }
0x82: {  	_ =	swait.ge @!p2 [sflag:s17], $0x6400  }
0x83: {  	[sflag:s17] =	ssyncset.done @!p2 $0x0  }
0x84: {  	s6 =	sand.u32 $0x3, s2;
	s11 =	sadd.s32 $0xFFFFFE80, s3;
	[sflag:s17] =	ssyncadd.s32 @!p2 $0xFFFF9C00  }
0x85: {  	[tilespmem:s20], [sflag:$0x9] =	stream.linear.gather [spmem:s4], $0x6400, $0x38;
	[tilespmem:$0x1B6C0] =	vst v63  }
0x86: {  	s7 =	sand.u32 $0x1800, s14;
	s6 =	sshll.u32 s6, $0x8;
	_ =	swait.ge [sflag:s9], $0x6400  }
0x87: {  	s6 =	sadd.s32 $0x100, s6;
	s17 =	sand.u32 $0x300, s11;
	[sflag:s9] =	ssyncset.done $0x0  }
0x88: {  	s6 =	sadd.s32 s6, s14;
	s17 =	sor.u32 s17, s7;
	[sflag:s9] =	ssyncadd.s32 $0xFFFF9C00  }
0x89: {  	[tilespmem:s20], [sflag:$0x3] =	stream.indirect.gather.add.f32 [hbm:s1], $0x80, s17, s12, $0xb8;
	[tilespmem:$0x1B6C0] =	vst v63  }
0x8a: {  	s6 =	sor.u32 $0x400, s6  }
0x8b: {  	[tilespmem:s21], [sflag:$0x3] =	stream.indirect.gather.add.f32 [hbm:s1], $0x80, s6, s13, $0xb8;
	[tilespmem:$0x1B6C0] =	vst v63  }
0x8c: {  	_ =	swait.ge [sflag:s22], $0x4000  }
0x8d: {  	[sflag:s22] =	ssyncset.done $0x0  }
0x8e: {  	[sflag:s22] =	ssyncadd.s32 $0xFFFFC000  }
0x8f: {  	_ =	swait.ge [sflag:s22], $0x2400  }
0x90: {  	[sflag:s22] =	ssyncset.done $0x0  }
0x91: {  	s17 =	sadd.s32 $0xC80, s8;
	s6 =	simm.s32 @!p2 $0x8;
	[sflag:s22] =	ssyncadd.s32 $0xFFFFDC00  }
0x92: {  	[hbm4b:s17+s5] =	stream.linear.scatter [tilespmem:s16], [sflag:$0x6], $0x6400, $0x38;
	[tilespmem:$0x1B6C0] =	vst v63  }
0x93: {  	_ =	swait.ge @!p2 [sflag:s6], $0x6400  }
0x94: {  	[sflag:s6] =	ssyncset.done @!p2 $0x0  }
0x95: {  	s28 =	sand.u32 $0x7, s15;
	[sflag:s6] =	ssyncadd.s32 @!p2 $0xFFFF9C00  }
0x96: {  	[tilespmem:s23], [sflag:$0x9] =	stream.linear.gather [spmem:s4], $0x6400, $0x38;
	[tilespmem:$0x1B6C0] =	vst v63  }
0x97: {  	s11 =	sadd.s32 $0xFFFFFF00, s3;
	s6 =	sshll.u32 s28, $0x7;
	_ =	swait.ge [sflag:s9], $0x6400  }
0x98: {  	s17 =	sand.u32 $0x380, s11;
	s6 =	sadd.s32 $0x180, s6;
	[sflag:s9] =	ssyncset.done $0x0  }
0x99: {  	s7 =	sadd.s32 s17, s7;
	s6 =	sadd.s32 s6, s14;
	[sflag:s9] =	ssyncadd.s32 $0xFFFF9C00  }
0x9a: {  	[tilespmem:s23], [sflag:$0x4] =	stream.indirect.gather.add.f32 [hbm:s1], $0x80, s7, s12, $0xb8;
	[tilespmem:$0x1B6C0] =	vst v63  }
0x9b: {  	s6 =	sor.u32 $0x400, s6  }
0x9c: {  	[tilespmem:s24], [sflag:$0x4] =	stream.indirect.gather.add.f32 [hbm:s1], $0x80, s6, s13, $0xb8;
	[tilespmem:$0x1B6C0] =	vst v63  }
0x9d: {  	_ =	swait.ge [sflag:s25], $0x4000  }
0x9e: {  	[sflag:s25] =	ssyncset.done $0x0  }
0x9f: {  	[sflag:s25] =	ssyncadd.s32 $0xFFFFC000  }
0xa0: {  	_ =	swait.ge [sflag:s25], $0x2400  }
0xa1: {  	p2 =	seq.s32 s14, $0x1C00;
	[sflag:s25] =	ssyncset.done $0x0  }
0xa2: {  	s17 =	sadd.s32 $0x1900, s8;
	s6 =	simm.s32 @!p2 $0x5;
	[sflag:s25] =	ssyncadd.s32 $0xFFFFDC00  }
0xa3: {  	[hbm4b:s17+s5] =	stream.linear.scatter [tilespmem:s20], [sflag:$0x7], $0x6400, $0x38;
	[tilespmem:$0x1B6C0] =	vst v63  }
0xa4: {  	s11 =	sadd.s32 @!p2 $0x400, s14;
	s28 =	sadd.s32 @!p2 $0xFFFFFF80, s3;
	_ =	swait.ge @!p2 [sflag:s6], $0x6400  }
0xa5: {  	s11 =	sand.u32 @!p2 $0x3800, s11;
	s7 =	simm.s32 $0x1;
	[sflag:s6] =	ssyncset.done @!p2 $0x0  }
0xa6: {  	s17 =	simm.s32 @!p2 $0x9;
	[sflag:s6] =	ssyncadd.s32 @!p2 $0xFFFF9C00;
	s6 =	simm.s32 @!p2 $0x2000  }
0xa7: {  	[tilespmem:s6], [sflag:$0x9] =	stream.linear.gather @!p2 [spmem:s4], $0x6400, $0x38;
	[tilespmem:$0x1B6C0] =	vst v63  }
0xa8: {  	s28 =	sand.u32 @!p2 $0x200, s28;
	s7 =	simm.s32 @!p1 $0x0;
	_ =	swait.ge @!p2 [sflag:s17], $0x6400  }
0xa9: {  	s11 =	sor.u32 @!p2 s28, s11;
	s7 =	sshll.u32 s7, $0x9;
	[sflag:s17] =	ssyncset.done @!p2 $0x0  }
0xaa: {  	s7 =	sor.u32 $0x400, s7;
	[sflag:s17] =	ssyncadd.s32 @!p2 $0xFFFF9C00;
	s17 =	simm.s32 @!p2 $0x80  }
0xab: {  	[tilespmem:s6], [sflag:$0x1] =	stream.indirect.gather.add.f32 @!p2 [hbm:s1], $0x80, s11, s17, $0xb8;
	[tilespmem:$0x1B6C0] =	vst v63  }
0xac: {  	s6 =	sadd.s32 @!p2 s7, s14  }
0xad: {  	s7 =	simm.s32 @!p2 $0x48;
	s11 =	simm.s32 @!p2 $0x6000;
	s6 =	sor.u32 @!p2 $0x400, s6  }
0xae: {  	[tilespmem:s11], [sflag:$0x1] =	stream.indirect.gather.add.f32 @!p2 [hbm:s1], $0x80, s6, s7, $0xb8;
	[tilespmem:$0x1B6C0] =	vst v63  }
0xaf: {  	_ =	swait.ge [sflag:s26], $0x4000  }
0xb0: {  	[sflag:s26] =	ssyncset.done $0x0  }
.Ltmp4:
0xb1: {  	[sflag:s26] =	ssyncadd.s32 $0xFFFFC000;
	(pc) =	sbr.rel @p2 .LBB2_8-.Ltmp4, $4  }
0xb2: {  	_ =	swait.ge [sflag:s26], $0x2400  }
0xb3: {  	[sflag:s26] =	ssyncset.done $0x0  }
0xb4: {  	s28 =	sadd.s32 $0x2580, s8;
	[sflag:s26] =	ssyncadd.s32 $0xFFFFDC00  }
0xb5: {  	[hbm4b:s28+s5] =	stream.linear.scatter [tilespmem:s23], [sflag:$0x8], $0x6400, $0x38;
	[tilespmem:$0x1B6C0] =	vst v63  }
0xb6: {  	_ =	swait.ge [sflag:s29], $0x6400  }
0xb7: {  	s6 =	sadd.s32 $0x500, s14;
	[sflag:s29] =	ssyncset.done $0x0  }
0xb8: {  	s7 =	sand.u32 $0x280, s3;
	s15 =	sadd.s32 $0x4, s15;
	[sflag:s29] =	ssyncadd.s32 $0xFFFF9C00  }
0xb9: {  	[tilespmem:s16], [sflag:$0x9] =	stream.linear.gather [spmem:s4], $0x6400, $0x38;
	[tilespmem:$0x1B6C0] =	vst v63  }
0xba: {  	s14 =	sadd.s32 $0x400, s14;
	s2 =	sadd.s32 $0x2, s2;
	_ =	swait.ge [sflag:s9], $0x6400  }
.Ltmp5:
0xbb: {  	s6 =	sand.u32 $0x3800, s6;
	[sflag:s9] =	ssyncset.done $0x0;
	(pc) =	sbr.rel .LBB2_6-.Ltmp5, $4  }
0xbc: {  	s8 =	sadd.s32 $0x3200, s8;
	s6 =	sor.u32 s7, s6;
	[sflag:s9] =	ssyncadd.s32 $0xFFFF9C00  }
0xbd: {  	[tilespmem:s16], [sflag:$0x2] =	stream.indirect.gather.add.f32 [hbm:s1], $0x80, s6, s12, $0xb8;
	[tilespmem:$0x1B6C0] =	vst v63  }
0xbe: {  	s3 =	sadd.s32 $0x200, s3;
	p1 =	por !p1, !p1;
	s6 =	sor.u32 $0x400, s6  }
0xbf: {  	[tilespmem:s18], [sflag:$0x2] =	stream.indirect.gather.add.f32 [hbm:s1], $0x80, s6, s13, $0xb8;
	[tilespmem:$0x1B6C0] =	vst v63  }
.LBB2_9:
0xc0: {  	_ =	sfence.sel $0x180000  }
0xc1: {  	[bflag:$0x0] =	sbarrier.arrive $0xFFFF  }
0xc2: {  	_ =	strace $0x90000047  }
0xc3: {  	[bflag:$0x2] =	sbarrier.arrive $0xFFFF  }
0xc4: {  	s0 =	rddreg [dreg:$0x6]  }
0xc5: {  	s0 =	sadd.s32 @!p0 $0x100000, s0  }
0xc6: {  	[sflag:s0] =	ssyncadd.tile.s32 @!p0 $0x1;
	_ =	shalt  }
.Lfunc_end2:
_tile_overlayer_lowered:
.L_overlay_start_2:
0xc7: {  	(tag) =	ssettag $0x2  }
0xc8: {  	s0 =	rddreg [dreg:$0x0];
	s2 =	stileid.u32  }
0xc9: {  	s1 =	rddreg [dreg:$0x1];
	p0 =	sne.s32 s2, $0x0  }
0xca: {  	s3 =	rddreg [dreg:$0x2];
	[bflag:$0x3] =	sbarrier.arrive $0xFFFF;
	s2 =	simm.s32 @!p0 $0x1C09  }
0xcb: {  	[timem:s3], [sflag:s2] =	dma.local @!p0 [hbm:s0], s1  }
0xcc: {  	s0 =	simm.s32 @!p0 $0x9  }
0xcd: {  	_ =	swait.ge @!p0 [sflag:s0], s1  }
0xce: {  	s1 =	ssub.s32 @!p0 $0x0, s1;
	[sflag:s0] =	ssyncset.done @!p0 $0x0  }
0xcf: {  	[sflag:s0] =	ssyncadd.s32 @!p0 s1  }
0xd0: {  	[bflag:$0x3] =	sbarrier.arrive $0xFFFF  }
0xd1: {  	_ =	shalt  }

</sc_bundles>
